<compile_context>
chip_gen: v7x
topology: tpu7x:2x2x1
jax: 0.10.2.dev20260603
libtpu: 0.0.44.dev20260713+nightly
codegen_flags: <defaults>
</compile_context>

<pallas_src>
import functools

import jax
import jax.numpy as jnp
from jax import lax
from jax.experimental import pallas as pl
from jax.experimental.pallas import tpu as pltpu
from jax.experimental.pallas import tpu_sc as plsc

G = 64
H = 512
W = 512
C = 3
B = 32
GA = G + 8
WA = 256


NB = 4


def _start_row_copy(s_ref, x_hbm, rows_vmem, sems, step, ring):
    for j in range(NB):
        b = step * NB + j
        r0a = pl.multiple_of(s_ref[b, 2], 8)
        c0a = pl.multiple_of(s_ref[b, 3], 128)
        pltpu.make_async_copy(
            x_hbm.at[b, :, pl.ds(r0a, GA), pl.ds(c0a, WA)],
            rows_vmem.at[ring, j], sems.at[ring, j],
        ).start()


def _tc_full_body(s_ref, x_hbm, full_ref, rows_vmem, sems):
    step = pl.program_id(0)
    ring = lax.rem(step, 2)

    @pl.when(step == 0)
    def _prologue():
        _start_row_copy(s_ref, x_hbm, rows_vmem, sems, step, ring)

    @pl.when(step + 1 < B // NB)
    def _prefetch():
        _start_row_copy(s_ref, x_hbm, rows_vmem, sems, step + 1, 1 - ring)

    full_ref[...] = jnp.zeros((NB, C, H, W), jnp.float32)

    for j in range(NB):
        b = step * NB + j
        rstart = s_ref[b, 0]
        cstart = s_ref[b, 1]
        r0a = pl.multiple_of(s_ref[b, 2], 8)
        c0a = pl.multiple_of(s_ref[b, 3], 128)
        pltpu.make_async_copy(
            x_hbm.at[b, :, pl.ds(r0a, GA), pl.ds(c0a, WA)],
            rows_vmem.at[ring, j], sems.at[ring, j],
        ).wait()
        rid = r0a + lax.broadcasted_iota(jnp.int32, (C, GA, WA), 1)
        cid = c0a + lax.broadcasted_iota(jnp.int32, (C, GA, WA), 2)
        mask = ((rid >= rstart) & (rid < rstart + G)
                & (cid >= cstart) & (cid < cstart + G))
        full_ref[j, :, pl.ds(r0a, GA), pl.ds(c0a, WA)] = jnp.where(
            mask, rows_vmem[ring, j], 0.0)


def _tc_full(scalars, x):
    return pl.pallas_call(
        _tc_full_body,
        grid=(B // NB,),
        in_specs=[
            pl.BlockSpec(memory_space=pltpu.SMEM),
            pl.BlockSpec(memory_space=pl.ANY),
        ],
        out_specs=pl.BlockSpec((NB, C, H, W), lambda b: (b, 0, 0, 0)),
        out_shape=jax.ShapeDtypeStruct((B, C, H, W), jnp.float32),
        scratch_shapes=[
            pltpu.VMEM((2, NB, C, GA, WA), jnp.float32),
            pltpu.SemaphoreType.DMA((2, NB)),
        ],
    )(scalars, x)


def _make_sc_patch():
    mesh = plsc.VectorSubcoreMesh(core_axis_name="c", subcore_axis_name="s")

    @functools.partial(
        pl.kernel,
        out_type=jax.ShapeDtypeStruct((B, C, G, G), jnp.float32),
        mesh=mesh,
        scratch_types=[
            pltpu.VMEM((2 * B,), jnp.int32),
            pltpu.VMEM((G,), jnp.int32),
            pltpu.VMEM((G,), jnp.int32),
            pltpu.VMEM((G,), jnp.int32),
            pltpu.VMEM((3, G, W), jnp.float32),
            pltpu.VMEM((G, G), jnp.float32),
            pltpu.VMEM((G, G), jnp.float32),
            pltpu.VMEM((G, G), jnp.float32),
            pltpu.SemaphoreType.DMA((3,)),
            pltpu.SemaphoreType.DMA((3,)),
        ],
        compiler_params=pltpu.CompilerParams(needs_layout_passes=False),
    )
    def sc_patch(x_hbm, l_hbm, out_hbm, l_v, idx0, idx1, idx2, staged,
                 out0, out1, out2, gsem, osem):
        idx_refs = [idx0, idx1, idx2]
        out_refs = [out0, out1, out2]
        cid = lax.axis_index("c")
        sid = lax.axis_index("s")
        wid = sid * 2 + cid
        pltpu.sync_copy(l_hbm, l_v)
        lane = lax.iota(jnp.int32, 16)
        cxs, cys, gathers = [], [], []
        for t in range(3):
            chan = wid * 3 + t
            b = chan // 3
            cx = plsc.load_gather(l_v, [jnp.full((16,), 2 * b, jnp.int32)]) - 1
            cy = plsc.load_gather(l_v, [jnp.full((16,), 2 * b + 1, jnp.int32)]) - 1
            for k in range(4):
                r = cx - (G // 2) + (lane + 16 * k)
                idx_refs[t][pl.ds(16 * k, 16)] = (
                    jnp.clip(r, 0, H - 1) + chan * H)
            gathers.append(
                pltpu.async_copy(x_hbm.at[idx_refs[t]], staged.at[t],
                                 gsem.at[t]))
            cxs.append(cx)
            cys.append(cy)
        outs = []
        for t in range(3):
            chan = wid * 3 + t
            gathers[t].wait()
            cx, cbase = cxs[t], cys[t] - (G // 2)

            def row_body(i, carry, cx=cx, cbase=cbase, t=t):
                rv = (cx - (G // 2) + i >= 0) & (cx - (G // 2) + i < H)
                row_i = jnp.full((16,), i, jnp.int32)
                for k in range(4):
                    col = cbase + (lane + 16 * k)
                    cv = (col >= 0) & (col < W)
                    val = plsc.load_gather(
                        staged.at[t], [row_i, jnp.clip(col, 0, W - 1)])
                    val = jnp.where(rv & cv, val, 0.0)
                    out_refs[t][i, pl.ds(16 * k, 16)] = val
                return carry

            lax.fori_loop(0, G, row_body, 0)
            b2 = chan // 3
            c2 = chan - b2 * 3
            outs.append(
                pltpu.async_copy(out_refs[t], out_hbm.at[b2, c2],
                                 osem.at[t]))
        for t in range(3):
            outs[t].wait()

    return sc_patch


_sc_patch_cache = []


def _sc_patch(x2d, lflat):
    if not _sc_patch_cache:
        _sc_patch_cache.append(_make_sc_patch())
    return _sc_patch_cache[0](x2d, lflat)


def kernel(x, l):
    coords = l.astype(jnp.int32) - 1
    rstart = coords[:, 0] - G // 2
    cstart = coords[:, 1] - G // 2
    r0 = jnp.clip(rstart, 0, H - G)
    r0a = jnp.minimum(r0 & ~7, H - GA)
    c0a = jnp.minimum(jnp.maximum(cstart, 0) & ~127, W - WA)
    scalars = jnp.stack([rstart, cstart, r0a, c0a], axis=-1)
    full = _tc_full(scalars, x)
    x2d = x.reshape(B * C * H, W)
    lflat = l.astype(jnp.int32).reshape(2 * B)
    patch = _sc_patch(x2d, lflat)
    return full, patch

# --- scband reference (transcript-rebuilt; emitter-appended) ---
"""Pipeline reference for scband-retina-59304908423288 (READ-ONLY COPY).

The authoritative reference and input builder live on the scoring server;
editing this copy changes nothing except your own understanding.
"""

import jax, jax.numpy as jnp
import numpy as np

G = 64

def setup_inputs(seed: int = 0) -> dict:
    key = jax.random.key(seed)
    k1, k2 = jax.random.split(key)
    x = jax.random.normal(k1, (32, 3, 512, 512), dtype=jnp.float32)
    l = jax.random.randint(k2, (32, 2), 0, 448, dtype=jnp.int32)
    return {"x": x, "l": l}

def _foveate_single(im, cx, cy):
    C, H, W = im.shape
    offs = jnp.arange(G)
    xs = cx - G // 2 + offs
    ys = cy - G // 2 + offs
    vx = (xs >= 0) & (xs < W)
    vy = (ys >= 0) & (ys < H)
    xs_c = jnp.clip(xs, 0, W - 1)
    ys_c = jnp.clip(ys, 0, H - 1)
    # gather the g x g patch (rows indexed by xs, cols by ys, as in the torch loop)
    p = im[:, xs_c][:, :, ys_c]  # [C, g, g]
    mask = (vx[:, None] & vy[None, :]).astype(im.dtype)
    patch = p * mask  # zero out-of-bounds, matching the else-branch patch[...] = 0
    # scatter the valid patch pixels into a zero canvas the size of the image
    full = jnp.zeros_like(im)
    full = full.at[:, xs_c[:, None], ys_c[None, :]].add(patch)
    return full, patch

def reference(x, l):
    coords = l.astype(jnp.int32) - 1  # l.long() - 1
    cx = coords[:, 0]
    cy = coords[:, 1]
    full, patch = jax.vmap(_foveate_single)(x, cx, cy)
    return full, patch

if __name__ == "__main__":
    import jax
    _d = setup_inputs()
    print(jax.jit(kernel)(*tuple(_d.values())))

</pallas_src>

<mosaic_0001>
#map = affine_map<(d0, d1) -> (0, 0)>
#map1 = affine_map<(d0, d1) -> (0)>
#map2 = affine_map<(d0, d1) -> (0, 0, 0, 0)>
module attributes {stable_mosaic.version = 14 : i64} {
  func.func @sc_patch(%arg0: i32, %arg1: i32, %arg2: memref<49152x512xf32, #tpu.memory_space<hbm>>, %arg3: memref<64xi32, #tpu.memory_space<hbm>>, %arg4: memref<32x3x64x64xf32, #tpu.memory_space<hbm>>, %arg5: memref<64xi32, #tpu.memory_space<vmem>>, %arg6: memref<64xi32, #tpu.memory_space<vmem>>, %arg7: memref<64xi32, #tpu.memory_space<vmem>>, %arg8: memref<64xi32, #tpu.memory_space<vmem>>, %arg9: memref<3x64x512xf32, #tpu.memory_space<vmem>>, %arg10: memref<64x64xf32, #tpu.memory_space<vmem>>, %arg11: memref<64x64xf32, #tpu.memory_space<vmem>>, %arg12: memref<64x64xf32, #tpu.memory_space<vmem>>, %arg13: memref<3x!tpu.dma_semaphore, #tpu.memory_space<semaphore_mem>>, %arg14: memref<3x!tpu.dma_semaphore, #tpu.memory_space<semaphore_mem>>) attributes {dimension_semantics = [#tpu.dimension_semantics<core_parallel>, #tpu.dimension_semantics<subcore_parallel>], iteration_bounds = array<i64: 2, 16>, scalar_prefetch = 0 : i64, scratch_operands = 10 : i64, tpu.core_type = #tpu.core_type<sc_vector_subcore>, window_params = [{transform_indices = #map}, {transform_indices = #map1}, {transform_indices = #map2}]} {
    %mul3A = arith.constant 2 : i32
    %mul3A_0 = arith.muli %arg1, %mul3A : i32
    %add3A = arith.addi %mul3A_0, %arg0 : i32
    "tpu.region"() ({
      %run_scoped3A = tpu.sem_alloc : memref<!tpu.dma_semaphore, #tpu.memory_space<semaphore_mem>>
      tpu.enqueue_dma source(%arg3 : memref<64xi32, #tpu.memory_space<hbm>>) target(%arg5 : memref<64xi32, #tpu.memory_space<vmem>>) target_semaphore(%run_scoped3A : memref<!tpu.dma_semaphore, #tpu.memory_space<semaphore_mem>>)
      tpu.wait_dma2 semaphore(%run_scoped3A : memref<!tpu.dma_semaphore, #tpu.memory_space<semaphore_mem>>) src(%arg3 : memref<64xi32, #tpu.memory_space<hbm>>) dst(%arg5 : memref<64xi32, #tpu.memory_space<vmem>>)
      tpu.yield
    }) : () -> ()
    %iota3A = tpu.iota {dimensions = array<i32: 0>} : vector<16xi32>
    %mul3A_1 = arith.constant 3 : i32
    %mul3A_2 = arith.muli %add3A, %mul3A_1 : i32
    %add3A_3 = arith.constant 0 : i32
    %add3A_4 = arith.addi %mul3A_2, %add3A_3 : i32
    %jit3A = arith.constant 3 : i32
    %div3A = arith.divsi %add3A_4, %jit3A : i32
    %sign3A = arith.constant 0 : i32
    %sign3A_5 = arith.cmpi sgt, %add3A_4, %sign3A : i32
    %sign3A_6 = arith.extui %sign3A_5 : i1 to i32
    %sign3A_7 = arith.constant 0 : i32
    %sign3A_8 = arith.cmpi slt, %add3A_4, %sign3A_7 : i32
    %sign3A_9 = arith.extui %sign3A_8 : i1 to i32
    %sign3A_10 = arith.subi %sign3A_6, %sign3A_9 : i32
    %sign3A_11 = arith.constant 0 : i32
    %sign3A_12 = arith.cmpi sgt, %jit3A, %sign3A_11 : i32
    %sign3A_13 = arith.extui %sign3A_12 : i1 to i32
    %sign3A_14 = arith.constant 0 : i32
    %sign3A_15 = arith.cmpi slt, %jit3A, %sign3A_14 : i32
    %sign3A_16 = arith.extui %sign3A_15 : i1 to i32
    %sign3A_17 = arith.subi %sign3A_13, %sign3A_16 : i32
    %ne3A = arith.cmpi ne, %sign3A_10, %sign3A_17 : i32
    %rem3A = arith.remsi %add3A_4, %jit3A : i32
    %ne3A_18 = arith.constant 0 : i32
    %ne3A_19 = arith.cmpi ne, %rem3A, %ne3A_18 : i32
    %and3A = arith.andi %ne3A, %ne3A_19 : i1
    %sub3A = arith.constant 1 : i32
    %sub3A_20 = arith.subi %div3A, %sub3A : i32
    %select_n3A = arith.select %and3A, %sub3A_20, %div3A : i32
    %mul3A_21 = arith.constant 2 : i32
    %mul3A_22 = arith.muli %mul3A_21, %select_n3A : i32
    %broadcast_in_dim3A = vector.broadcast %mul3A_22 : i32 to vector<16xi32>
    %gather3A = tpu.vector_load_idx %arg5[%broadcast_in_dim3A] : memref<64xi32, #tpu.memory_space<vmem>>[vector<16xi32>], vector<16xi32>,
    %sub3A_23 = arith.constant 1 : i32
    %sub3A_24 = vector.broadcast %sub3A_23 : i32 to vector<16xi32>
    %sub3A_25 = arith.subi %gather3A, %sub3A_24 : vector<16xi32>
    %mul3A_26 = arith.constant 2 : i32
    %mul3A_27 = arith.muli %mul3A_26, %select_n3A : i32
    %add3A_28 = arith.constant 1 : i32
    %add3A_29 = arith.addi %mul3A_27, %add3A_28 : i32
    %broadcast_in_dim3A_30 = vector.broadcast %add3A_29 : i32 to vector<16xi32>
    %gather3A_31 = tpu.vector_load_idx %arg5[%broadcast_in_dim3A_30] : memref<64xi32, #tpu.memory_space<vmem>>[vector<16xi32>], vector<16xi32>,
    %sub3A_32 = arith.constant 1 : i32
    %sub3A_33 = vector.broadcast %sub3A_32 : i32 to vector<16xi32>
    %sub3A_34 = arith.subi %gather3A_31, %sub3A_33 : vector<16xi32>
    %sub3A_35 = arith.constant 32 : i32
    %sub3A_36 = vector.broadcast %sub3A_35 : i32 to vector<16xi32>
    %sub3A_37 = arith.subi %sub3A_25, %sub3A_36 : vector<16xi32>
    %add3A_38 = arith.constant 0 : i32
    %add3A_39 = vector.broadcast %add3A_38 : i32 to vector<16xi32>
    %add3A_40 = arith.addi %iota3A, %add3A_39 : vector<16xi32>
    %add3A_41 = arith.addi %sub3A_37, %add3A_40 : vector<16xi32>
    %jit3A_42 = arith.constant 0 : i32
    %jit3A_43 = arith.constant 511 : i32
    %max3A = vector.broadcast %jit3A_42 : i32 to vector<16xi32>
    %max3A_44 = arith.maxsi %max3A, %add3A_41 : vector<16xi32>
    %min3A = vector.broadcast %jit3A_43 : i32 to vector<16xi32>
    %min3A_45 = arith.minsi %min3A, %max3A_44 : vector<16xi32>
    %mul3A_46 = arith.constant 512 : i32
    %mul3A_47 = arith.muli %add3A_4, %mul3A_46 : i32
    %add3A_48 = vector.broadcast %mul3A_47 : i32 to vector<16xi32>
    %add3A_49 = arith.addi %min3A_45, %add3A_48 : vector<16xi32>
    %swap3A = arith.constant 0 : index
    %swap3A_50 = tpu.vector_load %arg6[%swap3A] {strides = array<i32>} : memref<64xi32, #tpu.memory_space<vmem>>, vector<16xi32>,
    tpu.vector_store %arg6[%swap3A], %add3A_49 {strides = array<i32>} : memref<64xi32, #tpu.memory_space<vmem>>, vector<16xi32>,
    %sub3A_51 = arith.constant 32 : i32
    %sub3A_52 = vector.broadcast %sub3A_51 : i32 to vector<16xi32>
    %sub3A_53 = arith.subi %sub3A_25, %sub3A_52 : vector<16xi32>
    %add3A_54 = arith.constant 16 : i32
    %add3A_55 = vector.broadcast %add3A_54 : i32 to vector<16xi32>
    %add3A_56 = arith.addi %iota3A, %add3A_55 : vector<16xi32>
    %add3A_57 = arith.addi %sub3A_53, %add3A_56 : vector<16xi32>
    %jit3A_58 = arith.constant 0 : i32
    %jit3A_59 = arith.constant 511 : i32
    %max3A_60 = vector.broadcast %jit3A_58 : i32 to vector<16xi32>
    %max3A_61 = arith.maxsi %max3A_60, %add3A_57 : vector<16xi32>
    %min3A_62 = vector.broadcast %jit3A_59 : i32 to vector<16xi32>
    %min3A_63 = arith.minsi %min3A_62, %max3A_61 : vector<16xi32>
    %mul3A_64 = arith.constant 512 : i32
    %mul3A_65 = arith.muli %add3A_4, %mul3A_64 : i32
    %add3A_66 = vector.broadcast %mul3A_65 : i32 to vector<16xi32>
    %add3A_67 = arith.addi %min3A_63, %add3A_66 : vector<16xi32>
    %swap3A_68 = arith.constant 16 : index
    %swap3A_69 = tpu.vector_load %arg6[%swap3A_68] {strides = array<i32>} : memref<64xi32, #tpu.memory_space<vmem>>, vector<16xi32>,
    tpu.vector_store %arg6[%swap3A_68], %add3A_67 {strides = array<i32>} : memref<64xi32, #tpu.memory_space<vmem>>, vector<16xi32>,
    %sub3A_70 = arith.constant 32 : i32
    %sub3A_71 = vector.broadcast %sub3A_70 : i32 to vector<16xi32>
    %sub3A_72 = arith.subi %sub3A_25, %sub3A_71 : vector<16xi32>
    %add3A_73 = arith.constant 32 : i32
    %add3A_74 = vector.broadcast %add3A_73 : i32 to vector<16xi32>
    %add3A_75 = arith.addi %iota3A, %add3A_74 : vector<16xi32>
    %add3A_76 = arith.addi %sub3A_72, %add3A_75 : vector<16xi32>
    %jit3A_77 = arith.constant 0 : i32
    %jit3A_78 = arith.constant 511 : i32
    %max3A_79 = vector.broadcast %jit3A_77 : i32 to vector<16xi32>
    %max3A_80 = arith.maxsi %max3A_79, %add3A_76 : vector<16xi32>
    %min3A_81 = vector.broadcast %jit3A_78 : i32 to vector<16xi32>
    %min3A_82 = arith.minsi %min3A_81, %max3A_80 : vector<16xi32>
    %mul3A_83 = arith.constant 512 : i32
    %mul3A_84 = arith.muli %add3A_4, %mul3A_83 : i32
    %add3A_85 = vector.broadcast %mul3A_84 : i32 to vector<16xi32>
    %add3A_86 = arith.addi %min3A_82, %add3A_85 : vector<16xi32>
    %swap3A_87 = arith.constant 32 : index
    %swap3A_88 = tpu.vector_load %arg6[%swap3A_87] {strides = array<i32>} : memref<64xi32, #tpu.memory_space<vmem>>, vector<16xi32>,
    tpu.vector_store %arg6[%swap3A_87], %add3A_86 {strides = array<i32>} : memref<64xi32, #tpu.memory_space<vmem>>, vector<16xi32>,
    %sub3A_89 = arith.constant 32 : i32
    %sub3A_90 = vector.broadcast %sub3A_89 : i32 to vector<16xi32>
    %sub3A_91 = arith.subi %sub3A_25, %sub3A_90 : vector<16xi32>
    %add3A_92 = arith.constant 48 : i32
    %add3A_93 = vector.broadcast %add3A_92 : i32 to vector<16xi32>
    %add3A_94 = arith.addi %iota3A, %add3A_93 : vector<16xi32>
    %add3A_95 = arith.addi %sub3A_91, %add3A_94 : vector<16xi32>
    %jit3A_96 = arith.constant 0 : i32
    %jit3A_97 = arith.constant 511 : i32
    %max3A_98 = vector.broadcast %jit3A_96 : i32 to vector<16xi32>
    %max3A_99 = arith.maxsi %max3A_98, %add3A_95 : vector<16xi32>
    %min3A_100 = vector.broadcast %jit3A_97 : i32 to vector<16xi32>
    %min3A_101 = arith.minsi %min3A_100, %max3A_99 : vector<16xi32>
    %mul3A_102 = arith.constant 512 : i32
    %mul3A_103 = arith.muli %add3A_4, %mul3A_102 : i32
    %add3A_104 = vector.broadcast %mul3A_103 : i32 to vector<16xi32>
    %add3A_105 = arith.addi %min3A_101, %add3A_104 : vector<16xi32>
    %swap3A_106 = arith.constant 48 : index
    %swap3A_107 = tpu.vector_load %arg6[%swap3A_106] {strides = array<i32>} : memref<64xi32, #tpu.memory_space<vmem>>, vector<16xi32>,
    tpu.vector_store %arg6[%swap3A_106], %add3A_105 {strides = array<i32>} : memref<64xi32, #tpu.memory_space<vmem>>, vector<16xi32>,
    %dma_start3A = arith.constant 0 : i32
    %dma_start3A_108 = arith.constant 0 : i32
    %dma_start3A_109 = arith.constant 0 : i32
    %dma_start3A_110 = arith.constant 0 : i32
    %dma_start3A_111 = tpu.memref_slice %arg9[%dma_start3A, %dma_start3A_109, %dma_start3A_110] : memref<3x64x512xf32, #tpu.memory_space<vmem>> -> memref<1x64x512xf32, #tpu.memory_space<vmem>>
    %dma_start3A_112 = tpu.memref_squeeze %dma_start3A_111 : memref<1x64x512xf32, #tpu.memory_space<vmem>> -> memref<64x512xf32, #tpu.memory_space<vmem>>
    %dma_start3A_113 = arith.constant 0 : i32
    %dma_start3A_114 = arith.constant 0 : i32
    %dma_start3A_115 = tpu.memref_slice %arg2[%dma_start3A_113, %dma_start3A_114] : memref<49152x512xf32, #tpu.memory_space<hbm>> -> memref<49152x512xf32, #tpu.memory_space<hbm>>
    %dma_start3A_116 = tpu.memref_slice %arg13[%dma_start3A_108] : memref<3x!tpu.dma_semaphore, #tpu.memory_space<semaphore_mem>> -> memref<1x!tpu.dma_semaphore, #tpu.memory_space<semaphore_mem>>
    %dma_start3A_117 = tpu.memref_squeeze %dma_start3A_116 : memref<1x!tpu.dma_semaphore, #tpu.memory_space<semaphore_mem>> -> memref<!tpu.dma_semaphore, #tpu.memory_space<semaphore_mem>>
    tpu.enqueue_indirect_dma source(%dma_start3A_115 : memref<49152x512xf32, #tpu.memory_space<hbm>>) target(%dma_start3A_112 : memref<64x512xf32, #tpu.memory_space<vmem>>) offsets(%arg6 : memref<64xi32, #tpu.memory_space<vmem>>) semaphore(%dma_start3A_117 : memref<!tpu.dma_semaphore, #tpu.memory_space<semaphore_mem>>)
    %mul3A_118 = arith.constant 3 : i32
    %mul3A_119 = arith.muli %add3A, %mul3A_118 : i32
    %add3A_120 = arith.constant 1 : i32
    %add3A_121 = arith.addi %mul3A_119, %add3A_120 : i32
    %jit3A_122 = arith.constant 3 : i32
    %div3A_123 = arith.divsi %add3A_121, %jit3A_122 : i32
    %sign3A_124 = arith.constant 0 : i32
    %sign3A_125 = arith.cmpi sgt, %add3A_121, %sign3A_124 : i32
    %sign3A_126 = arith.extui %sign3A_125 : i1 to i32
    %sign3A_127 = arith.constant 0 : i32
    %sign3A_128 = arith.cmpi slt, %add3A_121, %sign3A_127 : i32
    %sign3A_129 = arith.extui %sign3A_128 : i1 to i32
    %sign3A_130 = arith.subi %sign3A_126, %sign3A_129 : i32
    %sign3A_131 = arith.constant 0 : i32
    %sign3A_132 = arith.cmpi sgt, %jit3A_122, %sign3A_131 : i32
    %sign3A_133 = arith.extui %sign3A_132 : i1 to i32
    %sign3A_134 = arith.constant 0 : i32
    %sign3A_135 = arith.cmpi slt, %jit3A_122, %sign3A_134 : i32
    %sign3A_136 = arith.extui %sign3A_135 : i1 to i32
    %sign3A_137 = arith.subi %sign3A_133, %sign3A_136 : i32
    %ne3A_138 = arith.cmpi ne, %sign3A_130, %sign3A_137 : i32
    %rem3A_139 = arith.remsi %add3A_121, %jit3A_122 : i32
    %ne3A_140 = arith.constant 0 : i32
    %ne3A_141 = arith.cmpi ne, %rem3A_139, %ne3A_140 : i32
    %and3A_142 = arith.andi %ne3A_138, %ne3A_141 : i1
    %sub3A_143 = arith.constant 1 : i32
    %sub3A_144 = arith.subi %div3A_123, %sub3A_143 : i32
    %select_n3A_145 = arith.select %and3A_142, %sub3A_144, %div3A_123 : i32
    %mul3A_146 = arith.constant 2 : i32
    %mul3A_147 = arith.muli %mul3A_146, %select_n3A_145 : i32
    %broadcast_in_dim3A_148 = vector.broadcast %mul3A_147 : i32 to vector<16xi32>
    %gather3A_149 = tpu.vector_load_idx %arg5[%broadcast_in_dim3A_148] : memref<64xi32, #tpu.memory_space<vmem>>[vector<16xi32>], vector<16xi32>,
    %sub3A_150 = arith.constant 1 : i32
    %sub3A_151 = vector.broadcast %sub3A_150 : i32 to vector<16xi32>
    %sub3A_152 = arith.subi %gather3A_149, %sub3A_151 : vector<16xi32>
    %mul3A_153 = arith.constant 2 : i32
    %mul3A_154 = arith.muli %mul3A_153, %select_n3A_145 : i32
    %add3A_155 = arith.constant 1 : i32
    %add3A_156 = arith.addi %mul3A_154, %add3A_155 : i32
    %broadcast_in_dim3A_157 = vector.broadcast %add3A_156 : i32 to vector<16xi32>
    %gather3A_158 = tpu.vector_load_idx %arg5[%broadcast_in_dim3A_157] : memref<64xi32, #tpu.memory_space<vmem>>[vector<16xi32>], vector<16xi32>,
    %sub3A_159 = arith.constant 1 : i32
    %sub3A_160 = vector.broadcast %sub3A_159 : i32 to vector<16xi32>
    %sub3A_161 = arith.subi %gather3A_158, %sub3A_160 : vector<16xi32>
    %sub3A_162 = arith.constant 32 : i32
    %sub3A_163 = vector.broadcast %sub3A_162 : i32 to vector<16xi32>
    %sub3A_164 = arith.subi %sub3A_152, %sub3A_163 : vector<16xi32>
    %add3A_165 = arith.constant 0 : i32
    %add3A_166 = vector.broadcast %add3A_165 : i32 to vector<16xi32>
    %add3A_167 = arith.addi %iota3A, %add3A_166 : vector<16xi32>
    %add3A_168 = arith.addi %sub3A_164, %add3A_167 : vector<16xi32>
    %jit3A_169 = arith.constant 0 : i32
    %jit3A_170 = arith.constant 511 : i32
    %max3A_171 = vector.broadcast %jit3A_169 : i32 to vector<16xi32>
    %max3A_172 = arith.maxsi %max3A_171, %add3A_168 : vector<16xi32>
    %min3A_173 = vector.broadcast %jit3A_170 : i32 to vector<16xi32>
    %min3A_174 = arith.minsi %min3A_173, %max3A_172 : vector<16xi32>
    %mul3A_175 = arith.constant 512 : i32
    %mul3A_176 = arith.muli %add3A_121, %mul3A_175 : i32
    %add3A_177 = vector.broadcast %mul3A_176 : i32 to vector<16xi32>
    %add3A_178 = arith.addi %min3A_174, %add3A_177 : vector<16xi32>
    %swap3A_179 = arith.constant 0 : index
    %swap3A_180 = tpu.vector_load %arg7[%swap3A_179] {strides = array<i32>} : memref<64xi32, #tpu.memory_space<vmem>>, vector<16xi32>,
    tpu.vector_store %arg7[%swap3A_179], %add3A_178 {strides = array<i32>} : memref<64xi32, #tpu.memory_space<vmem>>, vector<16xi32>,
    %sub3A_181 = arith.constant 32 : i32
    %sub3A_182 = vector.broadcast %sub3A_181 : i32 to vector<16xi32>
    %sub3A_183 = arith.subi %sub3A_152, %sub3A_182 : vector<16xi32>
    %add3A_184 = arith.constant 16 : i32
    %add3A_185 = vector.broadcast %add3A_184 : i32 to vector<16xi32>
    %add3A_186 = arith.addi %iota3A, %add3A_185 : vector<16xi32>
    %add3A_187 = arith.addi %sub3A_183, %add3A_186 : vector<16xi32>
    %jit3A_188 = arith.constant 0 : i32
    %jit3A_189 = arith.constant 511 : i32
    %max3A_190 = vector.broadcast %jit3A_188 : i32 to vector<16xi32>
    %max3A_191 = arith.maxsi %max3A_190, %add3A_187 : vector<16xi32>
    %min3A_192 = vector.broadcast %jit3A_189 : i32 to vector<16xi32>
    %min3A_193 = arith.minsi %min3A_192, %max3A_191 : vector<16xi32>
    %mul3A_194 = arith.constant 512 : i32
    %mul3A_195 = arith.muli %add3A_121, %mul3A_194 : i32
    %add3A_196 = vector.broadcast %mul3A_195 : i32 to vector<16xi32>
    %add3A_197 = arith.addi %min3A_193, %add3A_196 : vector<16xi32>
    %swap3A_198 = arith.constant 16 : index
    %swap3A_199 = tpu.vector_load %arg7[%swap3A_198] {strides = array<i32>} : memref<64xi32, #tpu.memory_space<vmem>>, vector<16xi32>,
    tpu.vector_store %arg7[%swap3A_198], %add3A_197 {strides = array<i32>} : memref<64xi32, #tpu.memory_space<vmem>>, vector<16xi32>,
    %sub3A_200 = arith.constant 32 : i32
    %sub3A_201 = vector.broadcast %sub3A_200 : i32 to vector<16xi32>
    %sub3A_202 = arith.subi %sub3A_152, %sub3A_201 : vector<16xi32>
    %add3A_203 = arith.constant 32 : i32
    %add3A_204 = vector.broadcast %add3A_203 : i32 to vector<16xi32>
    %add3A_205 = arith.addi %iota3A, %add3A_204 : vector<16xi32>
    %add3A_206 = arith.addi %sub3A_202, %add3A_205 : vector<16xi32>
    %jit3A_207 = arith.constant 0 : i32
    %jit3A_208 = arith.constant 511 : i32
    %max3A_209 = vector.broadcast %jit3A_207 : i32 to vector<16xi32>
    %max3A_210 = arith.maxsi %max3A_209, %add3A_206 : vector<16xi32>
    %min3A_211 = vector.broadcast %jit3A_208 : i32 to vector<16xi32>
    %min3A_212 = arith.minsi %min3A_211, %max3A_210 : vector<16xi32>
    %mul3A_213 = arith.constant 512 : i32
    %mul3A_214 = arith.muli %add3A_121, %mul3A_213 : i32
    %add3A_215 = vector.broadcast %mul3A_214 : i32 to vector<16xi32>
    %add3A_216 = arith.addi %min3A_212, %add3A_215 : vector<16xi32>
    %swap3A_217 = arith.constant 32 : index
    %swap3A_218 = tpu.vector_load %arg7[%swap3A_217] {strides = array<i32>} : memref<64xi32, #tpu.memory_space<vmem>>, vector<16xi32>,
    tpu.vector_store %arg7[%swap3A_217], %add3A_216 {strides = array<i32>} : memref<64xi32, #tpu.memory_space<vmem>>, vector<16xi32>,
    %sub3A_219 = arith.constant 32 : i32
    %sub3A_220 = vector.broadcast %sub3A_219 : i32 to vector<16xi32>
    %sub3A_221 = arith.subi %sub3A_152, %sub3A_220 : vector<16xi32>
    %add3A_222 = arith.constant 48 : i32
    %add3A_223 = vector.broadcast %add3A_222 : i32 to vector<16xi32>
    %add3A_224 = arith.addi %iota3A, %add3A_223 : vector<16xi32>
    %add3A_225 = arith.addi %sub3A_221, %add3A_224 : vector<16xi32>
    %jit3A_226 = arith.constant 0 : i32
    %jit3A_227 = arith.constant 511 : i32
    %max3A_228 = vector.broadcast %jit3A_226 : i32 to vector<16xi32>
    %max3A_229 = arith.maxsi %max3A_228, %add3A_225 : vector<16xi32>
    %min3A_230 = vector.broadcast %jit3A_227 : i32 to vector<16xi32>
    %min3A_231 = arith.minsi %min3A_230, %max3A_229 : vector<16xi32>
    %mul3A_232 = arith.constant 512 : i32
    %mul3A_233 = arith.muli %add3A_121, %mul3A_232 : i32
    %add3A_234 = vector.broadcast %mul3A_233 : i32 to vector<16xi32>
    %add3A_235 = arith.addi %min3A_231, %add3A_234 : vector<16xi32>
    %swap3A_236 = arith.constant 48 : index
    %swap3A_237 = tpu.vector_load %arg7[%swap3A_236] {strides = array<i32>} : memref<64xi32, #tpu.memory_space<vmem>>, vector<16xi32>,
    tpu.vector_store %arg7[%swap3A_236], %add3A_235 {strides = array<i32>} : memref<64xi32, #tpu.memory_space<vmem>>, vector<16xi32>,
    %dma_start3A_238 = arith.constant 1 : i32
    %dma_start3A_239 = arith.constant 1 : i32
    %dma_start3A_240 = arith.constant 0 : i32
    %dma_start3A_241 = arith.constant 0 : i32
    %dma_start3A_242 = tpu.memref_slice %arg9[%dma_start3A_238, %dma_start3A_240, %dma_start3A_241] : memref<3x64x512xf32, #tpu.memory_space<vmem>> -> memref<1x64x512xf32, #tpu.memory_space<vmem>>
    %dma_start3A_243 = tpu.memref_squeeze %dma_start3A_242 : memref<1x64x512xf32, #tpu.memory_space<vmem>> -> memref<64x512xf32, #tpu.memory_space<vmem>>
    %dma_start3A_244 = arith.constant 0 : i32
    %dma_start3A_245 = arith.constant 0 : i32
    %dma_start3A_246 = tpu.memref_slice %arg2[%dma_start3A_244, %dma_start3A_245] : memref<49152x512xf32, #tpu.memory_space<hbm>> -> memref<49152x512xf32, #tpu.memory_space<hbm>>
    %dma_start3A_247 = tpu.memref_slice %arg13[%dma_start3A_239] : memref<3x!tpu.dma_semaphore, #tpu.memory_space<semaphore_mem>> -> memref<1x!tpu.dma_semaphore, #tpu.memory_space<semaphore_mem>>
    %dma_start3A_248 = tpu.memref_squeeze %dma_start3A_247 : memref<1x!tpu.dma_semaphore, #tpu.memory_space<semaphore_mem>> -> memref<!tpu.dma_semaphore, #tpu.memory_space<semaphore_mem>>
    tpu.enqueue_indirect_dma source(%dma_start3A_246 : memref<49152x512xf32, #tpu.memory_space<hbm>>) target(%dma_start3A_243 : memref<64x512xf32, #tpu.memory_space<vmem>>) offsets(%arg7 : memref<64xi32, #tpu.memory_space<vmem>>) semaphore(%dma_start3A_248 : memref<!tpu.dma_semaphore, #tpu.memory_space<semaphore_mem>>)
    %mul3A_249 = arith.constant 3 : i32
    %mul3A_250 = arith.muli %add3A, %mul3A_249 : i32
    %add3A_251 = arith.constant 2 : i32
    %add3A_252 = arith.addi %mul3A_250, %add3A_251 : i32
    %jit3A_253 = arith.constant 3 : i32
    %div3A_254 = arith.divsi %add3A_252, %jit3A_253 : i32
    %sign3A_255 = arith.constant 0 : i32
    %sign3A_256 = arith.cmpi sgt, %add3A_252, %sign3A_255 : i32
    %sign3A_257 = arith.extui %sign3A_256 : i1 to i32
    %sign3A_258 = arith.constant 0 : i32
    %sign3A_259 = arith.cmpi slt, %add3A_252, %sign3A_258 : i32
    %sign3A_260 = arith.extui %sign3A_259 : i1 to i32
    %sign3A_261 = arith.subi %sign3A_257, %sign3A_260 : i32
    %sign3A_262 = arith.constant 0 : i32
    %sign3A_263 = arith.cmpi sgt, %jit3A_253, %sign3A_262 : i32
    %sign3A_264 = arith.extui %sign3A_263 : i1 to i32
    %sign3A_265 = arith.constant 0 : i32
    %sign3A_266 = arith.cmpi slt, %jit3A_253, %sign3A_265 : i32
    %sign3A_267 = arith.extui %sign3A_266 : i1 to i32
    %sign3A_268 = arith.subi %sign3A_264, %sign3A_267 : i32
    %ne3A_269 = arith.cmpi ne, %sign3A_261, %sign3A_268 : i32
    %rem3A_270 = arith.remsi %add3A_252, %jit3A_253 : i32
    %ne3A_271 = arith.constant 0 : i32
    %ne3A_272 = arith.cmpi ne, %rem3A_270, %ne3A_271 : i32
    %and3A_273 = arith.andi %ne3A_269, %ne3A_272 : i1
    %sub3A_274 = arith.constant 1 : i32
    %sub3A_275 = arith.subi %div3A_254, %sub3A_274 : i32
    %select_n3A_276 = arith.select %and3A_273, %sub3A_275, %div3A_254 : i32
    %mul3A_277 = arith.constant 2 : i32
    %mul3A_278 = arith.muli %mul3A_277, %select_n3A_276 : i32
    %broadcast_in_dim3A_279 = vector.broadcast %mul3A_278 : i32 to vector<16xi32>
    %gather3A_280 = tpu.vector_load_idx %arg5[%broadcast_in_dim3A_279] : memref<64xi32, #tpu.memory_space<vmem>>[vector<16xi32>], vector<16xi32>,
    %sub3A_281 = arith.constant 1 : i32
    %sub3A_282 = vector.broadcast %sub3A_281 : i32 to vector<16xi32>
    %sub3A_283 = arith.subi %gather3A_280, %sub3A_282 : vector<16xi32>
    %mul3A_284 = arith.constant 2 : i32
    %mul3A_285 = arith.muli %mul3A_284, %select_n3A_276 : i32
    %add3A_286 = arith.constant 1 : i32
    %add3A_287 = arith.addi %mul3A_285, %add3A_286 : i32
    %broadcast_in_dim3A_288 = vector.broadcast %add3A_287 : i32 to vector<16xi32>
    %gather3A_289 = tpu.vector_load_idx %arg5[%broadcast_in_dim3A_288] : memref<64xi32, #tpu.memory_space<vmem>>[vector<16xi32>], vector<16xi32>,
    %sub3A_290 = arith.constant 1 : i32
    %sub3A_291 = vector.broadcast %sub3A_290 : i32 to vector<16xi32>
    %sub3A_292 = arith.subi %gather3A_289, %sub3A_291 : vector<16xi32>
    %sub3A_293 = arith.constant 32 : i32
    %sub3A_294 = vector.broadcast %sub3A_293 : i32 to vector<16xi32>
    %sub3A_295 = arith.subi %sub3A_283, %sub3A_294 : vector<16xi32>
    %add3A_296 = arith.constant 0 : i32
    %add3A_297 = vector.broadcast %add3A_296 : i32 to vector<16xi32>
    %add3A_298 = arith.addi %iota3A, %add3A_297 : vector<16xi32>
    %add3A_299 = arith.addi %sub3A_295, %add3A_298 : vector<16xi32>
    %jit3A_300 = arith.constant 0 : i32
    %jit3A_301 = arith.constant 511 : i32
    %max3A_302 = vector.broadcast %jit3A_300 : i32 to vector<16xi32>
    %max3A_303 = arith.maxsi %max3A_302, %add3A_299 : vector<16xi32>
    %min3A_304 = vector.broadcast %jit3A_301 : i32 to vector<16xi32>
    %min3A_305 = arith.minsi %min3A_304, %max3A_303 : vector<16xi32>
    %mul3A_306 = arith.constant 512 : i32
    %mul3A_307 = arith.muli %add3A_252, %mul3A_306 : i32
    %add3A_308 = vector.broadcast %mul3A_307 : i32 to vector<16xi32>
    %add3A_309 = arith.addi %min3A_305, %add3A_308 : vector<16xi32>
    %swap3A_310 = arith.constant 0 : index
    %swap3A_311 = tpu.vector_load %arg8[%swap3A_310] {strides = array<i32>} : memref<64xi32, #tpu.memory_space<vmem>>, vector<16xi32>,
    tpu.vector_store %arg8[%swap3A_310], %add3A_309 {strides = array<i32>} : memref<64xi32, #tpu.memory_space<vmem>>, vector<16xi32>,
    %sub3A_312 = arith.constant 32 : i32
    %sub3A_313 = vector.broadcast %sub3A_312 : i32 to vector<16xi32>
    %sub3A_314 = arith.subi %sub3A_283, %sub3A_313 : vector<16xi32>
    %add3A_315 = arith.constant 16 : i32
    %add3A_316 = vector.broadcast %add3A_315 : i32 to vector<16xi32>
    %add3A_317 = arith.addi %iota3A, %add3A_316 : vector<16xi32>
    %add3A_318 = arith.addi %sub3A_314, %add3A_317 : vector<16xi32>
    %jit3A_319 = arith.constant 0 : i32
    %jit3A_320 = arith.constant 511 : i32
    %max3A_321 = vector.broadcast %jit3A_319 : i32 to vector<16xi32>
    %max3A_322 = arith.maxsi %max3A_321, %add3A_318 : vector<16xi32>
    %min3A_323 = vector.broadcast %jit3A_320 : i32 to vector<16xi32>
    %min3A_324 = arith.minsi %min3A_323, %max3A_322 : vector<16xi32>
    %mul3A_325 = arith.constant 512 : i32
    %mul3A_326 = arith.muli %add3A_252, %mul3A_325 : i32
    %add3A_327 = vector.broadcast %mul3A_326 : i32 to vector<16xi32>
    %add3A_328 = arith.addi %min3A_324, %add3A_327 : vector<16xi32>
    %swap3A_329 = arith.constant 16 : index
    %swap3A_330 = tpu.vector_load %arg8[%swap3A_329] {strides = array<i32>} : memref<64xi32, #tpu.memory_space<vmem>>, vector<16xi32>,
    tpu.vector_store %arg8[%swap3A_329], %add3A_328 {strides = array<i32>} : memref<64xi32, #tpu.memory_space<vmem>>, vector<16xi32>,
    %sub3A_331 = arith.constant 32 : i32
    %sub3A_332 = vector.broadcast %sub3A_331 : i32 to vector<16xi32>
    %sub3A_333 = arith.subi %sub3A_283, %sub3A_332 : vector<16xi32>
    %add3A_334 = arith.constant 32 : i32
    %add3A_335 = vector.broadcast %add3A_334 : i32 to vector<16xi32>
    %add3A_336 = arith.addi %iota3A, %add3A_335 : vector<16xi32>
    %add3A_337 = arith.addi %sub3A_333, %add3A_336 : vector<16xi32>
    %jit3A_338 = arith.constant 0 : i32
    %jit3A_339 = arith.constant 511 : i32
    %max3A_340 = vector.broadcast %jit3A_338 : i32 to vector<16xi32>
    %max3A_341 = arith.maxsi %max3A_340, %add3A_337 : vector<16xi32>
    %min3A_342 = vector.broadcast %jit3A_339 : i32 to vector<16xi32>
    %min3A_343 = arith.minsi %min3A_342, %max3A_341 : vector<16xi32>
    %mul3A_344 = arith.constant 512 : i32
    %mul3A_345 = arith.muli %add3A_252, %mul3A_344 : i32
    %add3A_346 = vector.broadcast %mul3A_345 : i32 to vector<16xi32>
    %add3A_347 = arith.addi %min3A_343, %add3A_346 : vector<16xi32>
    %swap3A_348 = arith.constant 32 : index
    %swap3A_349 = tpu.vector_load %arg8[%swap3A_348] {strides = array<i32>} : memref<64xi32, #tpu.memory_space<vmem>>, vector<16xi32>,
    tpu.vector_store %arg8[%swap3A_348], %add3A_347 {strides = array<i32>} : memref<64xi32, #tpu.memory_space<vmem>>, vector<16xi32>,
    %sub3A_350 = arith.constant 32 : i32
    %sub3A_351 = vector.broadcast %sub3A_350 : i32 to vector<16xi32>
    %sub3A_352 = arith.subi %sub3A_283, %sub3A_351 : vector<16xi32>
    %add3A_353 = arith.constant 48 : i32
    %add3A_354 = vector.broadcast %add3A_353 : i32 to vector<16xi32>
    %add3A_355 = arith.addi %iota3A, %add3A_354 : vector<16xi32>
    %add3A_356 = arith.addi %sub3A_352, %add3A_355 : vector<16xi32>
    %jit3A_357 = arith.constant 0 : i32
    %jit3A_358 = arith.constant 511 : i32
    %max3A_359 = vector.broadcast %jit3A_357 : i32 to vector<16xi32>
    %max3A_360 = arith.maxsi %max3A_359, %add3A_356 : vector<16xi32>
    %min3A_361 = vector.broadcast %jit3A_358 : i32 to vector<16xi32>
    %min3A_362 = arith.minsi %min3A_361, %max3A_360 : vector<16xi32>
    %mul3A_363 = arith.constant 512 : i32
    %mul3A_364 = arith.muli %add3A_252, %mul3A_363 : i32
    %add3A_365 = vector.broadcast %mul3A_364 : i32 to vector<16xi32>
    %add3A_366 = arith.addi %min3A_362, %add3A_365 : vector<16xi32>
    %swap3A_367 = arith.constant 48 : index
    %swap3A_368 = tpu.vector_load %arg8[%swap3A_367] {strides = array<i32>} : memref<64xi32, #tpu.memory_space<vmem>>, vector<16xi32>,
    tpu.vector_store %arg8[%swap3A_367], %add3A_366 {strides = array<i32>} : memref<64xi32, #tpu.memory_space<vmem>>, vector<16xi32>,
    %dma_start3A_369 = arith.constant 2 : i32
    %dma_start3A_370 = arith.constant 2 : i32
    %dma_start3A_371 = arith.constant 0 : i32
    %dma_start3A_372 = arith.constant 0 : i32
    %dma_start3A_373 = tpu.memref_slice %arg9[%dma_start3A_369, %dma_start3A_371, %dma_start3A_372] : memref<3x64x512xf32, #tpu.memory_space<vmem>> -> memref<1x64x512xf32, #tpu.memory_space<vmem>>
    %dma_start3A_374 = tpu.memref_squeeze %dma_start3A_373 : memref<1x64x512xf32, #tpu.memory_space<vmem>> -> memref<64x512xf32, #tpu.memory_space<vmem>>
    %dma_start3A_375 = arith.constant 0 : i32
    %dma_start3A_376 = arith.constant 0 : i32
    %dma_start3A_377 = tpu.memref_slice %arg2[%dma_start3A_375, %dma_start3A_376] : memref<49152x512xf32, #tpu.memory_space<hbm>> -> memref<49152x512xf32, #tpu.memory_space<hbm>>
    %dma_start3A_378 = tpu.memref_slice %arg13[%dma_start3A_370] : memref<3x!tpu.dma_semaphore, #tpu.memory_space<semaphore_mem>> -> memref<1x!tpu.dma_semaphore, #tpu.memory_space<semaphore_mem>>
    %dma_start3A_379 = tpu.memref_squeeze %dma_start3A_378 : memref<1x!tpu.dma_semaphore, #tpu.memory_space<semaphore_mem>> -> memref<!tpu.dma_semaphore, #tpu.memory_space<semaphore_mem>>
    tpu.enqueue_indirect_dma source(%dma_start3A_377 : memref<49152x512xf32, #tpu.memory_space<hbm>>) target(%dma_start3A_374 : memref<64x512xf32, #tpu.memory_space<vmem>>) offsets(%arg8 : memref<64xi32, #tpu.memory_space<vmem>>) semaphore(%dma_start3A_379 : memref<!tpu.dma_semaphore, #tpu.memory_space<semaphore_mem>>)
    %mul3A_380 = arith.constant 3 : i32
    %mul3A_381 = arith.muli %add3A, %mul3A_380 : i32
    %add3A_382 = arith.constant 0 : i32
    %add3A_383 = arith.addi %mul3A_381, %add3A_382 : i32
    %dma_wait3A = arith.constant 0 : i32
    %dma_wait3A_384 = arith.constant 0 : i32
    %dma_wait3A_385 = arith.constant 0 : i32
    %dma_wait3A_386 = arith.constant 0 : i32
    %dma_wait3A_387 = tpu.memref_slice %arg9[%dma_wait3A, %dma_wait3A_385, %dma_wait3A_386] : memref<3x64x512xf32, #tpu.memory_space<vmem>> -> memref<1x64x512xf32, #tpu.memory_space<vmem>>
    %dma_wait3A_388 = tpu.memref_squeeze %dma_wait3A_387 : memref<1x64x512xf32, #tpu.memory_space<vmem>> -> memref<64x512xf32, #tpu.memory_space<vmem>>
    %dma_wait3A_389 = arith.constant 0 : i32
    %dma_wait3A_390 = arith.constant 0 : i32
    %dma_wait3A_391 = tpu.memref_slice %arg2[%dma_wait3A_389, %dma_wait3A_390] : memref<49152x512xf32, #tpu.memory_space<hbm>> -> memref<49152x512xf32, #tpu.memory_space<hbm>>
    %dma_wait3A_392 = tpu.memref_slice %arg13[%dma_wait3A_384] : memref<3x!tpu.dma_semaphore, #tpu.memory_space<semaphore_mem>> -> memref<1x!tpu.dma_semaphore, #tpu.memory_space<semaphore_mem>>
    %dma_wait3A_393 = tpu.memref_squeeze %dma_wait3A_392 : memref<1x!tpu.dma_semaphore, #tpu.memory_space<semaphore_mem>> -> memref<!tpu.dma_semaphore, #tpu.memory_space<semaphore_mem>>
    tpu.wait_indirect_dma semaphore(%dma_wait3A_393 : memref<!tpu.dma_semaphore, #tpu.memory_space<semaphore_mem>>) src(%dma_wait3A_391 : memref<49152x512xf32, #tpu.memory_space<hbm>>) dst(%dma_wait3A_388 : memref<64x512xf32, #tpu.memory_space<vmem>>)
    %sub3A_394 = arith.constant 32 : i32
    %sub3A_395 = vector.broadcast %sub3A_394 : i32 to vector<16xi32>
    %sub3A_396 = arith.subi %sub3A_34, %sub3A_395 : vector<16xi32>
    %scan3A = arith.constant 0 : i32
    %scan3A_397 = arith.constant 0 : i32
    %scan3A_398 = arith.constant 64 : i32
    %scan3A_399 = arith.addi %scan3A_397, %scan3A_398 : i32
    %scan3A_400 = arith.constant 1 : i32
    scf.for %scan3A_597 = %scan3A_397 to %scan3A_399 step %scan3A_400  : i32 {
      %sub3A_598 = arith.constant 32 : i32
      %sub3A_599 = vector.broadcast %sub3A_598 : i32 to vector<16xi32>
      %sub3A_600 = arith.subi %sub3A_25, %sub3A_599 : vector<16xi32>
      %add3A_601 = vector.broadcast %scan3A_597 : i32 to vector<16xi32>
      %add3A_602 = arith.addi %sub3A_600, %add3A_601 : vector<16xi32>
      %ge3A = arith.constant 0 : i32
      %ge3A_603 = vector.broadcast %ge3A : i32 to vector<16xi32>
      %ge3A_604 = arith.cmpi sge, %add3A_602, %ge3A_603 : vector<16xi32>
      %sub3A_605 = arith.constant 32 : i32
      %sub3A_606 = vector.broadcast %sub3A_605 : i32 to vector<16xi32>
      %sub3A_607 = arith.subi %sub3A_25, %sub3A_606 : vector<16xi32>
      %add3A_608 = vector.broadcast %scan3A_597 : i32 to vector<16xi32>
      %add3A_609 = arith.addi %sub3A_607, %add3A_608 : vector<16xi32>
      %lt3A = arith.constant 512 : i32
      %lt3A_610 = vector.broadcast %lt3A : i32 to vector<16xi32>
      %lt3A_611 = arith.cmpi slt, %add3A_609, %lt3A_610 : vector<16xi32>
      %and3A_612 = arith.andi %ge3A_604, %lt3A_611 : vector<16xi1>
      %broadcast_in_dim3A_613 = vector.broadcast %scan3A_597 : i32 to vector<16xi32>
      %add3A_614 = arith.constant 0 : i32
      %add3A_615 = vector.broadcast %add3A_614 : i32 to vector<16xi32>
      %add3A_616 = arith.addi %iota3A, %add3A_615 : vector<16xi32>
      %add3A_617 = arith.addi %sub3A_396, %add3A_616 : vector<16xi32>
      %ge3A_618 = arith.constant 0 : i32
      %ge3A_619 = vector.broadcast %ge3A_618 : i32 to vector<16xi32>
      %ge3A_620 = arith.cmpi sge, %add3A_617, %ge3A_619 : vector<16xi32>
      %lt3A_621 = arith.constant 512 : i32
      %lt3A_622 = vector.broadcast %lt3A_621 : i32 to vector<16xi32>
      %lt3A_623 = arith.cmpi slt, %add3A_617, %lt3A_622 : vector<16xi32>
      %and3A_624 = arith.andi %ge3A_620, %lt3A_623 : vector<16xi1>
      %jit3A_625 = arith.constant 0 : i32
      %jit3A_626 = arith.constant 511 : i32
      %max3A_627 = vector.broadcast %jit3A_625 : i32 to vector<16xi32>
      %max3A_628 = arith.maxsi %max3A_627, %add3A_617 : vector<16xi32>
      %min3A_629 = vector.broadcast %jit3A_626 : i32 to vector<16xi32>
      %min3A_630 = arith.minsi %min3A_629, %max3A_628 : vector<16xi32>
      %gather3A_631 = arith.constant 0 : i32
      %gather3A_632 = arith.constant 0 : i32
      %gather3A_633 = arith.constant 0 : i32
      %gather3A_634 = tpu.memref_slice %arg9[%gather3A_631, %gather3A_632, %gather3A_633] : memref<3x64x512xf32, #tpu.memory_space<vmem>> -> memref<1x64x512xf32, #tpu.memory_space<vmem>>
      %gather3A_635 = tpu.memref_squeeze %gather3A_634 : memref<1x64x512xf32, #tpu.memory_space<vmem>> -> memref<64x512xf32, #tpu.memory_space<vmem>>
      %gather3A_636 = tpu.vector_load_idx %gather3A_635[%broadcast_in_dim3A_613, %min3A_630] : memref<64x512xf32, #tpu.memory_space<vmem>>[vector<16xi32>, vector<16xi32>], vector<16xf32>,
      %and3A_637 = arith.andi %and3A_612, %and3A_624 : vector<16xi1>
      %jit3A_638 = arith.constant 0.000000e+00 : f32
      %broadcast_in_dim3A_639 = vector.broadcast %jit3A_638 : f32 to vector<16xf32>
      %select_n3A_640 = arith.select %and3A_637, %gather3A_636, %broadcast_in_dim3A_639 : vector<16xi1>, vector<16xf32>
      %swap3A_641 = arith.index_cast %scan3A_597 : i32 to index
      %swap3A_642 = arith.constant 0 : index
      %swap3A_643 = tpu.vector_load %arg10[%swap3A_641, %swap3A_642] {strides = array<i32>} : memref<64x64xf32, #tpu.memory_space<vmem>>, vector<16xf32>,
      tpu.vector_store %arg10[%swap3A_641, %swap3A_642], %select_n3A_640 {strides = array<i32>} : memref<64x64xf32, #tpu.memory_space<vmem>>, vector<16xf32>,
      %add3A_644 = arith.constant 16 : i32
      %add3A_645 = vector.broadcast %add3A_644 : i32 to vector<16xi32>
      %add3A_646 = arith.addi %iota3A, %add3A_645 : vector<16xi32>
      %add3A_647 = arith.addi %sub3A_396, %add3A_646 : vector<16xi32>
      %ge3A_648 = arith.constant 0 : i32
      %ge3A_649 = vector.broadcast %ge3A_648 : i32 to vector<16xi32>
      %ge3A_650 = arith.cmpi sge, %add3A_647, %ge3A_649 : vector<16xi32>
      %lt3A_651 = arith.constant 512 : i32
      %lt3A_652 = vector.broadcast %lt3A_651 : i32 to vector<16xi32>
      %lt3A_653 = arith.cmpi slt, %add3A_647, %lt3A_652 : vector<16xi32>
      %and3A_654 = arith.andi %ge3A_650, %lt3A_653 : vector<16xi1>
      %jit3A_655 = arith.constant 0 : i32
      %jit3A_656 = arith.constant 511 : i32
      %max3A_657 = vector.broadcast %jit3A_655 : i32 to vector<16xi32>
      %max3A_658 = arith.maxsi %max3A_657, %add3A_647 : vector<16xi32>
      %min3A_659 = vector.broadcast %jit3A_656 : i32 to vector<16xi32>
      %min3A_660 = arith.minsi %min3A_659, %max3A_658 : vector<16xi32>
      %gather3A_661 = arith.constant 0 : i32
      %gather3A_662 = arith.constant 0 : i32
      %gather3A_663 = arith.constant 0 : i32
      %gather3A_664 = tpu.memref_slice %arg9[%gather3A_661, %gather3A_662, %gather3A_663] : memref<3x64x512xf32, #tpu.memory_space<vmem>> -> memref<1x64x512xf32, #tpu.memory_space<vmem>>
      %gather3A_665 = tpu.memref_squeeze %gather3A_664 : memref<1x64x512xf32, #tpu.memory_space<vmem>> -> memref<64x512xf32, #tpu.memory_space<vmem>>
      %gather3A_666 = tpu.vector_load_idx %gather3A_665[%broadcast_in_dim3A_613, %min3A_660] : memref<64x512xf32, #tpu.memory_space<vmem>>[vector<16xi32>, vector<16xi32>], vector<16xf32>,
      %and3A_667 = arith.andi %and3A_612, %and3A_654 : vector<16xi1>
      %jit3A_668 = arith.constant 0.000000e+00 : f32
      %broadcast_in_dim3A_669 = vector.broadcast %jit3A_668 : f32 to vector<16xf32>
      %select_n3A_670 = arith.select %and3A_667, %gather3A_666, %broadcast_in_dim3A_669 : vector<16xi1>, vector<16xf32>
      %swap3A_671 = arith.index_cast %scan3A_597 : i32 to index
      %swap3A_672 = arith.constant 16 : index
      %swap3A_673 = tpu.vector_load %arg10[%swap3A_671, %swap3A_672] {strides = array<i32>} : memref<64x64xf32, #tpu.memory_space<vmem>>, vector<16xf32>,
      tpu.vector_store %arg10[%swap3A_671, %swap3A_672], %select_n3A_670 {strides = array<i32>} : memref<64x64xf32, #tpu.memory_space<vmem>>, vector<16xf32>,
      %add3A_674 = arith.constant 32 : i32
      %add3A_675 = vector.broadcast %add3A_674 : i32 to vector<16xi32>
      %add3A_676 = arith.addi %iota3A, %add3A_675 : vector<16xi32>
      %add3A_677 = arith.addi %sub3A_396, %add3A_676 : vector<16xi32>
      %ge3A_678 = arith.constant 0 : i32
      %ge3A_679 = vector.broadcast %ge3A_678 : i32 to vector<16xi32>
      %ge3A_680 = arith.cmpi sge, %add3A_677, %ge3A_679 : vector<16xi32>
      %lt3A_681 = arith.constant 512 : i32
      %lt3A_682 = vector.broadcast %lt3A_681 : i32 to vector<16xi32>
      %lt3A_683 = arith.cmpi slt, %add3A_677, %lt3A_682 : vector<16xi32>
      %and3A_684 = arith.andi %ge3A_680, %lt3A_683 : vector<16xi1>
      %jit3A_685 = arith.constant 0 : i32
      %jit3A_686 = arith.constant 511 : i32
      %max3A_687 = vector.broadcast %jit3A_685 : i32 to vector<16xi32>
      %max3A_688 = arith.maxsi %max3A_687, %add3A_677 : vector<16xi32>
      %min3A_689 = vector.broadcast %jit3A_686 : i32 to vector<16xi32>
      %min3A_690 = arith.minsi %min3A_689, %max3A_688 : vector<16xi32>
      %gather3A_691 = arith.constant 0 : i32
      %gather3A_692 = arith.constant 0 : i32
      %gather3A_693 = arith.constant 0 : i32
      %gather3A_694 = tpu.memref_slice %arg9[%gather3A_691, %gather3A_692, %gather3A_693] : memref<3x64x512xf32, #tpu.memory_space<vmem>> -> memref<1x64x512xf32, #tpu.memory_space<vmem>>
      %gather3A_695 = tpu.memref_squeeze %gather3A_694 : memref<1x64x512xf32, #tpu.memory_space<vmem>> -> memref<64x512xf32, #tpu.memory_space<vmem>>
      %gather3A_696 = tpu.vector_load_idx %gather3A_695[%broadcast_in_dim3A_613, %min3A_690] : memref<64x512xf32, #tpu.memory_space<vmem>>[vector<16xi32>, vector<16xi32>], vector<16xf32>,
      %and3A_697 = arith.andi %and3A_612, %and3A_684 : vector<16xi1>
      %jit3A_698 = arith.constant 0.000000e+00 : f32
      %broadcast_in_dim3A_699 = vector.broadcast %jit3A_698 : f32 to vector<16xf32>
      %select_n3A_700 = arith.select %and3A_697, %gather3A_696, %broadcast_in_dim3A_699 : vector<16xi1>, vector<16xf32>
      %swap3A_701 = arith.index_cast %scan3A_597 : i32 to index
      %swap3A_702 = arith.constant 32 : index
      %swap3A_703 = tpu.vector_load %arg10[%swap3A_701, %swap3A_702] {strides = array<i32>} : memref<64x64xf32, #tpu.memory_space<vmem>>, vector<16xf32>,
      tpu.vector_store %arg10[%swap3A_701, %swap3A_702], %select_n3A_700 {strides = array<i32>} : memref<64x64xf32, #tpu.memory_space<vmem>>, vector<16xf32>,
      %add3A_704 = arith.constant 48 : i32
      %add3A_705 = vector.broadcast %add3A_704 : i32 to vector<16xi32>
      %add3A_706 = arith.addi %iota3A, %add3A_705 : vector<16xi32>
      %add3A_707 = arith.addi %sub3A_396, %add3A_706 : vector<16xi32>
      %ge3A_708 = arith.constant 0 : i32
      %ge3A_709 = vector.broadcast %ge3A_708 : i32 to vector<16xi32>
      %ge3A_710 = arith.cmpi sge, %add3A_707, %ge3A_709 : vector<16xi32>
      %lt3A_711 = arith.constant 512 : i32
      %lt3A_712 = vector.broadcast %lt3A_711 : i32 to vector<16xi32>
      %lt3A_713 = arith.cmpi slt, %add3A_707, %lt3A_712 : vector<16xi32>
      %and3A_714 = arith.andi %ge3A_710, %lt3A_713 : vector<16xi1>
      %jit3A_715 = arith.constant 0 : i32
      %jit3A_716 = arith.constant 511 : i32
      %max3A_717 = vector.broadcast %jit3A_715 : i32 to vector<16xi32>
      %max3A_718 = arith.maxsi %max3A_717, %add3A_707 : vector<16xi32>
      %min3A_719 = vector.broadcast %jit3A_716 : i32 to vector<16xi32>
      %min3A_720 = arith.minsi %min3A_719, %max3A_718 : vector<16xi32>
      %gather3A_721 = arith.constant 0 : i32
      %gather3A_722 = arith.constant 0 : i32
      %gather3A_723 = arith.constant 0 : i32
      %gather3A_724 = tpu.memref_slice %arg9[%gather3A_721, %gather3A_722, %gather3A_723] : memref<3x64x512xf32, #tpu.memory_space<vmem>> -> memref<1x64x512xf32, #tpu.memory_space<vmem>>
      %gather3A_725 = tpu.memref_squeeze %gather3A_724 : memref<1x64x512xf32, #tpu.memory_space<vmem>> -> memref<64x512xf32, #tpu.memory_space<vmem>>
      %gather3A_726 = tpu.vector_load_idx %gather3A_725[%broadcast_in_dim3A_613, %min3A_720] : memref<64x512xf32, #tpu.memory_space<vmem>>[vector<16xi32>, vector<16xi32>], vector<16xf32>,
      %and3A_727 = arith.andi %and3A_612, %and3A_714 : vector<16xi1>
      %jit3A_728 = arith.constant 0.000000e+00 : f32
      %broadcast_in_dim3A_729 = vector.broadcast %jit3A_728 : f32 to vector<16xf32>
      %select_n3A_730 = arith.select %and3A_727, %gather3A_726, %broadcast_in_dim3A_729 : vector<16xi1>, vector<16xf32>
      %swap3A_731 = arith.index_cast %scan3A_597 : i32 to index
      %swap3A_732 = arith.constant 48 : index
      %swap3A_733 = tpu.vector_load %arg10[%swap3A_731, %swap3A_732] {strides = array<i32>} : memref<64x64xf32, #tpu.memory_space<vmem>>, vector<16xf32>,
      tpu.vector_store %arg10[%swap3A_731, %swap3A_732], %select_n3A_730 {strides = array<i32>} : memref<64x64xf32, #tpu.memory_space<vmem>>, vector<16xf32>,
    }
    %scan3A_401 = arith.constant 64 : i32
    %jit3A_402 = arith.constant 3 : i32
    %div3A_403 = arith.divsi %add3A_383, %jit3A_402 : i32
    %sign3A_404 = arith.constant 0 : i32
    %sign3A_405 = arith.cmpi sgt, %add3A_383, %sign3A_404 : i32
    %sign3A_406 = arith.extui %sign3A_405 : i1 to i32
    %sign3A_407 = arith.constant 0 : i32
    %sign3A_408 = arith.cmpi slt, %add3A_383, %sign3A_407 : i32
    %sign3A_409 = arith.extui %sign3A_408 : i1 to i32
    %sign3A_410 = arith.subi %sign3A_406, %sign3A_409 : i32
    %sign3A_411 = arith.constant 0 : i32
    %sign3A_412 = arith.cmpi sgt, %jit3A_402, %sign3A_411 : i32
    %sign3A_413 = arith.extui %sign3A_412 : i1 to i32
    %sign3A_414 = arith.constant 0 : i32
    %sign3A_415 = arith.cmpi slt, %jit3A_402, %sign3A_414 : i32
    %sign3A_416 = arith.extui %sign3A_415 : i1 to i32
    %sign3A_417 = arith.subi %sign3A_413, %sign3A_416 : i32
    %ne3A_418 = arith.cmpi ne, %sign3A_410, %sign3A_417 : i32
    %rem3A_419 = arith.remsi %add3A_383, %jit3A_402 : i32
    %ne3A_420 = arith.constant 0 : i32
    %ne3A_421 = arith.cmpi ne, %rem3A_419, %ne3A_420 : i32
    %and3A_422 = arith.andi %ne3A_418, %ne3A_421 : i1
    %sub3A_423 = arith.constant 1 : i32
    %sub3A_424 = arith.subi %div3A_403, %sub3A_423 : i32
    %select_n3A_425 = arith.select %and3A_422, %sub3A_424, %div3A_403 : i32
    %mul3A_426 = arith.constant 3 : i32
    %mul3A_427 = arith.muli %select_n3A_425, %mul3A_426 : i32
    %sub3A_428 = arith.subi %add3A_383, %mul3A_427 : i32
    %dma_start3A_429 = arith.constant 0 : i32
    %dma_start3A_430 = arith.constant 0 : i32
    %dma_start3A_431 = arith.constant 0 : i32
    %dma_start3A_432 = tpu.memref_slice %arg4[%select_n3A_425, %sub3A_428, %dma_start3A_430, %dma_start3A_431] : memref<32x3x64x64xf32, #tpu.memory_space<hbm>> -> memref<1x1x64x64xf32, #tpu.memory_space<hbm>>
    %dma_start3A_433 = tpu.memref_squeeze %dma_start3A_432 : memref<1x1x64x64xf32, #tpu.memory_space<hbm>> -> memref<64x64xf32, #tpu.memory_space<hbm>>
    %dma_start3A_434 = tpu.memref_slice %arg14[%dma_start3A_429] : memref<3x!tpu.dma_semaphore, #tpu.memory_space<semaphore_mem>> -> memref<1x!tpu.dma_semaphore, #tpu.memory_space<semaphore_mem>>
    %dma_start3A_435 = tpu.memref_squeeze %dma_start3A_434 : memref<1x!tpu.dma_semaphore, #tpu.memory_space<semaphore_mem>> -> memref<!tpu.dma_semaphore, #tpu.memory_space<semaphore_mem>>
    %dma_start3A_436 = arith.constant 0 : i32
    %dma_start3A_437 = arith.constant 0 : i32
    %dma_start3A_438 = tpu.memref_slice %arg4[%select_n3A_425, %sub3A_428, %dma_start3A_436, %dma_start3A_437] : memref<32x3x64x64xf32, #tpu.memory_space<hbm>> -> memref<1x1x64x64xf32, #tpu.memory_space<hbm>>
    %dma_start3A_439 = tpu.memref_squeeze %dma_start3A_438 : memref<1x1x64x64xf32, #tpu.memory_space<hbm>> -> memref<64x64xf32, #tpu.memory_space<hbm>>
    tpu.enqueue_dma source(%arg10 : memref<64x64xf32, #tpu.memory_space<vmem>>) target(%dma_start3A_439 : memref<64x64xf32, #tpu.memory_space<hbm>>) target_semaphore(%dma_start3A_435 : memref<!tpu.dma_semaphore, #tpu.memory_space<semaphore_mem>>)
    %mul3A_440 = arith.constant 3 : i32
    %mul3A_441 = arith.muli %add3A, %mul3A_440 : i32
    %add3A_442 = arith.constant 1 : i32
    %add3A_443 = arith.addi %mul3A_441, %add3A_442 : i32
    %dma_wait3A_444 = arith.constant 1 : i32
    %dma_wait3A_445 = arith.constant 1 : i32
    %dma_wait3A_446 = arith.constant 0 : i32
    %dma_wait3A_447 = arith.constant 0 : i32
    %dma_wait3A_448 = tpu.memref_slice %arg9[%dma_wait3A_444, %dma_wait3A_446, %dma_wait3A_447] : memref<3x64x512xf32, #tpu.memory_space<vmem>> -> memref<1x64x512xf32, #tpu.memory_space<vmem>>
    %dma_wait3A_449 = tpu.memref_squeeze %dma_wait3A_448 : memref<1x64x512xf32, #tpu.memory_space<vmem>> -> memref<64x512xf32, #tpu.memory_space<vmem>>
    %dma_wait3A_450 = arith.constant 0 : i32
    %dma_wait3A_451 = arith.constant 0 : i32
    %dma_wait3A_452 = tpu.memref_slice %arg2[%dma_wait3A_450, %dma_wait3A_451] : memref<49152x512xf32, #tpu.memory_space<hbm>> -> memref<49152x512xf32, #tpu.memory_space<hbm>>
    %dma_wait3A_453 = tpu.memref_slice %arg13[%dma_wait3A_445] : memref<3x!tpu.dma_semaphore, #tpu.memory_space<semaphore_mem>> -> memref<1x!tpu.dma_semaphore, #tpu.memory_space<semaphore_mem>>
    %dma_wait3A_454 = tpu.memref_squeeze %dma_wait3A_453 : memref<1x!tpu.dma_semaphore, #tpu.memory_space<semaphore_mem>> -> memref<!tpu.dma_semaphore, #tpu.memory_space<semaphore_mem>>
    tpu.wait_indirect_dma semaphore(%dma_wait3A_454 : memref<!tpu.dma_semaphore, #tpu.memory_space<semaphore_mem>>) src(%dma_wait3A_452 : memref<49152x512xf32, #tpu.memory_space<hbm>>) dst(%dma_wait3A_449 : memref<64x512xf32, #tpu.memory_space<vmem>>)
    %sub3A_455 = arith.constant 32 : i32
    %sub3A_456 = vector.broadcast %sub3A_455 : i32 to vector<16xi32>
    %sub3A_457 = arith.subi %sub3A_161, %sub3A_456 : vector<16xi32>
    %scan3A_458 = arith.constant 0 : i32
    %scan3A_459 = arith.constant 0 : i32
    %scan3A_460 = arith.constant 64 : i32
    %scan3A_461 = arith.addi %scan3A_459, %scan3A_460 : i32
    %scan3A_462 = arith.constant 1 : i32
    scf.for %scan3A_597 = %scan3A_459 to %scan3A_461 step %scan3A_462  : i32 {
      %sub3A_598 = arith.constant 32 : i32
      %sub3A_599 = vector.broadcast %sub3A_598 : i32 to vector<16xi32>
      %sub3A_600 = arith.subi %sub3A_152, %sub3A_599 : vector<16xi32>
      %add3A_601 = vector.broadcast %scan3A_597 : i32 to vector<16xi32>
      %add3A_602 = arith.addi %sub3A_600, %add3A_601 : vector<16xi32>
      %ge3A = arith.constant 0 : i32
      %ge3A_603 = vector.broadcast %ge3A : i32 to vector<16xi32>
      %ge3A_604 = arith.cmpi sge, %add3A_602, %ge3A_603 : vector<16xi32>
      %sub3A_605 = arith.constant 32 : i32
      %sub3A_606 = vector.broadcast %sub3A_605 : i32 to vector<16xi32>
      %sub3A_607 = arith.subi %sub3A_152, %sub3A_606 : vector<16xi32>
      %add3A_608 = vector.broadcast %scan3A_597 : i32 to vector<16xi32>
      %add3A_609 = arith.addi %sub3A_607, %add3A_608 : vector<16xi32>
      %lt3A = arith.constant 512 : i32
      %lt3A_610 = vector.broadcast %lt3A : i32 to vector<16xi32>
      %lt3A_611 = arith.cmpi slt, %add3A_609, %lt3A_610 : vector<16xi32>
      %and3A_612 = arith.andi %ge3A_604, %lt3A_611 : vector<16xi1>
      %broadcast_in_dim3A_613 = vector.broadcast %scan3A_597 : i32 to vector<16xi32>
      %add3A_614 = arith.constant 0 : i32
      %add3A_615 = vector.broadcast %add3A_614 : i32 to vector<16xi32>
      %add3A_616 = arith.addi %iota3A, %add3A_615 : vector<16xi32>
      %add3A_617 = arith.addi %sub3A_457, %add3A_616 : vector<16xi32>
      %ge3A_618 = arith.constant 0 : i32
      %ge3A_619 = vector.broadcast %ge3A_618 : i32 to vector<16xi32>
      %ge3A_620 = arith.cmpi sge, %add3A_617, %ge3A_619 : vector<16xi32>
      %lt3A_621 = arith.constant 512 : i32
      %lt3A_622 = vector.broadcast %lt3A_621 : i32 to vector<16xi32>
      %lt3A_623 = arith.cmpi slt, %add3A_617, %lt3A_622 : vector<16xi32>
      %and3A_624 = arith.andi %ge3A_620, %lt3A_623 : vector<16xi1>
      %jit3A_625 = arith.constant 0 : i32
      %jit3A_626 = arith.constant 511 : i32
      %max3A_627 = vector.broadcast %jit3A_625 : i32 to vector<16xi32>
      %max3A_628 = arith.maxsi %max3A_627, %add3A_617 : vector<16xi32>
      %min3A_629 = vector.broadcast %jit3A_626 : i32 to vector<16xi32>
      %min3A_630 = arith.minsi %min3A_629, %max3A_628 : vector<16xi32>
      %gather3A_631 = arith.constant 1 : i32
      %gather3A_632 = arith.constant 0 : i32
      %gather3A_633 = arith.constant 0 : i32
      %gather3A_634 = tpu.memref_slice %arg9[%gather3A_631, %gather3A_632, %gather3A_633] : memref<3x64x512xf32, #tpu.memory_space<vmem>> -> memref<1x64x512xf32, #tpu.memory_space<vmem>>
      %gather3A_635 = tpu.memref_squeeze %gather3A_634 : memref<1x64x512xf32, #tpu.memory_space<vmem>> -> memref<64x512xf32, #tpu.memory_space<vmem>>
      %gather3A_636 = tpu.vector_load_idx %gather3A_635[%broadcast_in_dim3A_613, %min3A_630] : memref<64x512xf32, #tpu.memory_space<vmem>>[vector<16xi32>, vector<16xi32>], vector<16xf32>,
      %and3A_637 = arith.andi %and3A_612, %and3A_624 : vector<16xi1>
      %jit3A_638 = arith.constant 0.000000e+00 : f32
      %broadcast_in_dim3A_639 = vector.broadcast %jit3A_638 : f32 to vector<16xf32>
      %select_n3A_640 = arith.select %and3A_637, %gather3A_636, %broadcast_in_dim3A_639 : vector<16xi1>, vector<16xf32>
      %swap3A_641 = arith.index_cast %scan3A_597 : i32 to index
      %swap3A_642 = arith.constant 0 : index
      %swap3A_643 = tpu.vector_load %arg11[%swap3A_641, %swap3A_642] {strides = array<i32>} : memref<64x64xf32, #tpu.memory_space<vmem>>, vector<16xf32>,
      tpu.vector_store %arg11[%swap3A_641, %swap3A_642], %select_n3A_640 {strides = array<i32>} : memref<64x64xf32, #tpu.memory_space<vmem>>, vector<16xf32>,
      %add3A_644 = arith.constant 16 : i32
      %add3A_645 = vector.broadcast %add3A_644 : i32 to vector<16xi32>
      %add3A_646 = arith.addi %iota3A, %add3A_645 : vector<16xi32>
      %add3A_647 = arith.addi %sub3A_457, %add3A_646 : vector<16xi32>
      %ge3A_648 = arith.constant 0 : i32
      %ge3A_649 = vector.broadcast %ge3A_648 : i32 to vector<16xi32>
      %ge3A_650 = arith.cmpi sge, %add3A_647, %ge3A_649 : vector<16xi32>
      %lt3A_651 = arith.constant 512 : i32
      %lt3A_652 = vector.broadcast %lt3A_651 : i32 to vector<16xi32>
      %lt3A_653 = arith.cmpi slt, %add3A_647, %lt3A_652 : vector<16xi32>
      %and3A_654 = arith.andi %ge3A_650, %lt3A_653 : vector<16xi1>
      %jit3A_655 = arith.constant 0 : i32
      %jit3A_656 = arith.constant 511 : i32
      %max3A_657 = vector.broadcast %jit3A_655 : i32 to vector<16xi32>
      %max3A_658 = arith.maxsi %max3A_657, %add3A_647 : vector<16xi32>
      %min3A_659 = vector.broadcast %jit3A_656 : i32 to vector<16xi32>
      %min3A_660 = arith.minsi %min3A_659, %max3A_658 : vector<16xi32>
      %gather3A_661 = arith.constant 1 : i32
      %gather3A_662 = arith.constant 0 : i32
      %gather3A_663 = arith.constant 0 : i32
      %gather3A_664 = tpu.memref_slice %arg9[%gather3A_661, %gather3A_662, %gather3A_663] : memref<3x64x512xf32, #tpu.memory_space<vmem>> -> memref<1x64x512xf32, #tpu.memory_space<vmem>>
      %gather3A_665 = tpu.memref_squeeze %gather3A_664 : memref<1x64x512xf32, #tpu.memory_space<vmem>> -> memref<64x512xf32, #tpu.memory_space<vmem>>
      %gather3A_666 = tpu.vector_load_idx %gather3A_665[%broadcast_in_dim3A_613, %min3A_660] : memref<64x512xf32, #tpu.memory_space<vmem>>[vector<16xi32>, vector<16xi32>], vector<16xf32>,
      %and3A_667 = arith.andi %and3A_612, %and3A_654 : vector<16xi1>
      %jit3A_668 = arith.constant 0.000000e+00 : f32
      %broadcast_in_dim3A_669 = vector.broadcast %jit3A_668 : f32 to vector<16xf32>
      %select_n3A_670 = arith.select %and3A_667, %gather3A_666, %broadcast_in_dim3A_669 : vector<16xi1>, vector<16xf32>
      %swap3A_671 = arith.index_cast %scan3A_597 : i32 to index
      %swap3A_672 = arith.constant 16 : index
      %swap3A_673 = tpu.vector_load %arg11[%swap3A_671, %swap3A_672] {strides = array<i32>} : memref<64x64xf32, #tpu.memory_space<vmem>>, vector<16xf32>,
      tpu.vector_store %arg11[%swap3A_671, %swap3A_672], %select_n3A_670 {strides = array<i32>} : memref<64x64xf32, #tpu.memory_space<vmem>>, vector<16xf32>,
      %add3A_674 = arith.constant 32 : i32
      %add3A_675 = vector.broadcast %add3A_674 : i32 to vector<16xi32>
      %add3A_676 = arith.addi %iota3A, %add3A_675 : vector<16xi32>
      %add3A_677 = arith.addi %sub3A_457, %add3A_676 : vector<16xi32>
      %ge3A_678 = arith.constant 0 : i32
      %ge3A_679 = vector.broadcast %ge3A_678 : i32 to vector<16xi32>
      %ge3A_680 = arith.cmpi sge, %add3A_677, %ge3A_679 : vector<16xi32>
      %lt3A_681 = arith.constant 512 : i32
      %lt3A_682 = vector.broadcast %lt3A_681 : i32 to vector<16xi32>
      %lt3A_683 = arith.cmpi slt, %add3A_677, %lt3A_682 : vector<16xi32>
      %and3A_684 = arith.andi %ge3A_680, %lt3A_683 : vector<16xi1>
      %jit3A_685 = arith.constant 0 : i32
      %jit3A_686 = arith.constant 511 : i32
      %max3A_687 = vector.broadcast %jit3A_685 : i32 to vector<16xi32>
      %max3A_688 = arith.maxsi %max3A_687, %add3A_677 : vector<16xi32>
      %min3A_689 = vector.broadcast %jit3A_686 : i32 to vector<16xi32>
      %min3A_690 = arith.minsi %min3A_689, %max3A_688 : vector<16xi32>
      %gather3A_691 = arith.constant 1 : i32
      %gather3A_692 = arith.constant 0 : i32
      %gather3A_693 = arith.constant 0 : i32
      %gather3A_694 = tpu.memref_slice %arg9[%gather3A_691, %gather3A_692, %gather3A_693] : memref<3x64x512xf32, #tpu.memory_space<vmem>> -> memref<1x64x512xf32, #tpu.memory_space<vmem>>
      %gather3A_695 = tpu.memref_squeeze %gather3A_694 : memref<1x64x512xf32, #tpu.memory_space<vmem>> -> memref<64x512xf32, #tpu.memory_space<vmem>>
      %gather3A_696 = tpu.vector_load_idx %gather3A_695[%broadcast_in_dim3A_613, %min3A_690] : memref<64x512xf32, #tpu.memory_space<vmem>>[vector<16xi32>, vector<16xi32>], vector<16xf32>,
      %and3A_697 = arith.andi %and3A_612, %and3A_684 : vector<16xi1>
      %jit3A_698 = arith.constant 0.000000e+00 : f32
      %broadcast_in_dim3A_699 = vector.broadcast %jit3A_698 : f32 to vector<16xf32>
      %select_n3A_700 = arith.select %and3A_697, %gather3A_696, %broadcast_in_dim3A_699 : vector<16xi1>, vector<16xf32>
      %swap3A_701 = arith.index_cast %scan3A_597 : i32 to index
      %swap3A_702 = arith.constant 32 : index
      %swap3A_703 = tpu.vector_load %arg11[%swap3A_701, %swap3A_702] {strides = array<i32>} : memref<64x64xf32, #tpu.memory_space<vmem>>, vector<16xf32>,
      tpu.vector_store %arg11[%swap3A_701, %swap3A_702], %select_n3A_700 {strides = array<i32>} : memref<64x64xf32, #tpu.memory_space<vmem>>, vector<16xf32>,
      %add3A_704 = arith.constant 48 : i32
      %add3A_705 = vector.broadcast %add3A_704 : i32 to vector<16xi32>
      %add3A_706 = arith.addi %iota3A, %add3A_705 : vector<16xi32>
      %add3A_707 = arith.addi %sub3A_457, %add3A_706 : vector<16xi32>
      %ge3A_708 = arith.constant 0 : i32
      %ge3A_709 = vector.broadcast %ge3A_708 : i32 to vector<16xi32>
      %ge3A_710 = arith.cmpi sge, %add3A_707, %ge3A_709 : vector<16xi32>
      %lt3A_711 = arith.constant 512 : i32
      %lt3A_712 = vector.broadcast %lt3A_711 : i32 to vector<16xi32>
      %lt3A_713 = arith.cmpi slt, %add3A_707, %lt3A_712 : vector<16xi32>
      %and3A_714 = arith.andi %ge3A_710, %lt3A_713 : vector<16xi1>
      %jit3A_715 = arith.constant 0 : i32
      %jit3A_716 = arith.constant 511 : i32
      %max3A_717 = vector.broadcast %jit3A_715 : i32 to vector<16xi32>
      %max3A_718 = arith.maxsi %max3A_717, %add3A_707 : vector<16xi32>
      %min3A_719 = vector.broadcast %jit3A_716 : i32 to vector<16xi32>
      %min3A_720 = arith.minsi %min3A_719, %max3A_718 : vector<16xi32>
      %gather3A_721 = arith.constant 1 : i32
      %gather3A_722 = arith.constant 0 : i32
      %gather3A_723 = arith.constant 0 : i32
      %gather3A_724 = tpu.memref_slice %arg9[%gather3A_721, %gather3A_722, %gather3A_723] : memref<3x64x512xf32, #tpu.memory_space<vmem>> -> memref<1x64x512xf32, #tpu.memory_space<vmem>>
      %gather3A_725 = tpu.memref_squeeze %gather3A_724 : memref<1x64x512xf32, #tpu.memory_space<vmem>> -> memref<64x512xf32, #tpu.memory_space<vmem>>
      %gather3A_726 = tpu.vector_load_idx %gather3A_725[%broadcast_in_dim3A_613, %min3A_720] : memref<64x512xf32, #tpu.memory_space<vmem>>[vector<16xi32>, vector<16xi32>], vector<16xf32>,
      %and3A_727 = arith.andi %and3A_612, %and3A_714 : vector<16xi1>
      %jit3A_728 = arith.constant 0.000000e+00 : f32
      %broadcast_in_dim3A_729 = vector.broadcast %jit3A_728 : f32 to vector<16xf32>
      %select_n3A_730 = arith.select %and3A_727, %gather3A_726, %broadcast_in_dim3A_729 : vector<16xi1>, vector<16xf32>
      %swap3A_731 = arith.index_cast %scan3A_597 : i32 to index
      %swap3A_732 = arith.constant 48 : index
      %swap3A_733 = tpu.vector_load %arg11[%swap3A_731, %swap3A_732] {strides = array<i32>} : memref<64x64xf32, #tpu.memory_space<vmem>>, vector<16xf32>,
      tpu.vector_store %arg11[%swap3A_731, %swap3A_732], %select_n3A_730 {strides = array<i32>} : memref<64x64xf32, #tpu.memory_space<vmem>>, vector<16xf32>,
    }
    %scan3A_463 = arith.constant 64 : i32
    %jit3A_464 = arith.constant 3 : i32
    %div3A_465 = arith.divsi %add3A_443, %jit3A_464 : i32
    %sign3A_466 = arith.constant 0 : i32
    %sign3A_467 = arith.cmpi sgt, %add3A_443, %sign3A_466 : i32
    %sign3A_468 = arith.extui %sign3A_467 : i1 to i32
    %sign3A_469 = arith.constant 0 : i32
    %sign3A_470 = arith.cmpi slt, %add3A_443, %sign3A_469 : i32
    %sign3A_471 = arith.extui %sign3A_470 : i1 to i32
    %sign3A_472 = arith.subi %sign3A_468, %sign3A_471 : i32
    %sign3A_473 = arith.constant 0 : i32
    %sign3A_474 = arith.cmpi sgt, %jit3A_464, %sign3A_473 : i32
    %sign3A_475 = arith.extui %sign3A_474 : i1 to i32
    %sign3A_476 = arith.constant 0 : i32
    %sign3A_477 = arith.cmpi slt, %jit3A_464, %sign3A_476 : i32
    %sign3A_478 = arith.extui %sign3A_477 : i1 to i32
    %sign3A_479 = arith.subi %sign3A_475, %sign3A_478 : i32
    %ne3A_480 = arith.cmpi ne, %sign3A_472, %sign3A_479 : i32
    %rem3A_481 = arith.remsi %add3A_443, %jit3A_464 : i32
    %ne3A_482 = arith.constant 0 : i32
    %ne3A_483 = arith.cmpi ne, %rem3A_481, %ne3A_482 : i32
    %and3A_484 = arith.andi %ne3A_480, %ne3A_483 : i1
    %sub3A_485 = arith.constant 1 : i32
    %sub3A_486 = arith.subi %div3A_465, %sub3A_485 : i32
    %select_n3A_487 = arith.select %and3A_484, %sub3A_486, %div3A_465 : i32
    %mul3A_488 = arith.constant 3 : i32
    %mul3A_489 = arith.muli %select_n3A_487, %mul3A_488 : i32
    %sub3A_490 = arith.subi %add3A_443, %mul3A_489 : i32
    %dma_start3A_491 = arith.constant 1 : i32
    %dma_start3A_492 = arith.constant 0 : i32
    %dma_start3A_493 = arith.constant 0 : i32
    %dma_start3A_494 = tpu.memref_slice %arg4[%select_n3A_487, %sub3A_490, %dma_start3A_492, %dma_start3A_493] : memref<32x3x64x64xf32, #tpu.memory_space<hbm>> -> memref<1x1x64x64xf32, #tpu.memory_space<hbm>>
    %dma_start3A_495 = tpu.memref_squeeze %dma_start3A_494 : memref<1x1x64x64xf32, #tpu.memory_space<hbm>> -> memref<64x64xf32, #tpu.memory_space<hbm>>
    %dma_start3A_496 = tpu.memref_slice %arg14[%dma_start3A_491] : memref<3x!tpu.dma_semaphore, #tpu.memory_space<semaphore_mem>> -> memref<1x!tpu.dma_semaphore, #tpu.memory_space<semaphore_mem>>
    %dma_start3A_497 = tpu.memref_squeeze %dma_start3A_496 : memref<1x!tpu.dma_semaphore, #tpu.memory_space<semaphore_mem>> -> memref<!tpu.dma_semaphore, #tpu.memory_space<semaphore_mem>>
    %dma_start3A_498 = arith.constant 0 : i32
    %dma_start3A_499 = arith.constant 0 : i32
    %dma_start3A_500 = tpu.memref_slice %arg4[%select_n3A_487, %sub3A_490, %dma_start3A_498, %dma_start3A_499] : memref<32x3x64x64xf32, #tpu.memory_space<hbm>> -> memref<1x1x64x64xf32, #tpu.memory_space<hbm>>
    %dma_start3A_501 = tpu.memref_squeeze %dma_start3A_500 : memref<1x1x64x64xf32, #tpu.memory_space<hbm>> -> memref<64x64xf32, #tpu.memory_space<hbm>>
    tpu.enqueue_dma source(%arg11 : memref<64x64xf32, #tpu.memory_space<vmem>>) target(%dma_start3A_501 : memref<64x64xf32, #tpu.memory_space<hbm>>) target_semaphore(%dma_start3A_497 : memref<!tpu.dma_semaphore, #tpu.memory_space<semaphore_mem>>)
    %mul3A_502 = arith.constant 3 : i32
    %mul3A_503 = arith.muli %add3A, %mul3A_502 : i32
    %add3A_504 = arith.constant 2 : i32
    %add3A_505 = arith.addi %mul3A_503, %add3A_504 : i32
    %dma_wait3A_506 = arith.constant 2 : i32
    %dma_wait3A_507 = arith.constant 2 : i32
    %dma_wait3A_508 = arith.constant 0 : i32
    %dma_wait3A_509 = arith.constant 0 : i32
    %dma_wait3A_510 = tpu.memref_slice %arg9[%dma_wait3A_506, %dma_wait3A_508, %dma_wait3A_509] : memref<3x64x512xf32, #tpu.memory_space<vmem>> -> memref<1x64x512xf32, #tpu.memory_space<vmem>>
    %dma_wait3A_511 = tpu.memref_squeeze %dma_wait3A_510 : memref<1x64x512xf32, #tpu.memory_space<vmem>> -> memref<64x512xf32, #tpu.memory_space<vmem>>
    %dma_wait3A_512 = arith.constant 0 : i32
    %dma_wait3A_513 = arith.constant 0 : i32
    %dma_wait3A_514 = tpu.memref_slice %arg2[%dma_wait3A_512, %dma_wait3A_513] : memref<49152x512xf32, #tpu.memory_space<hbm>> -> memref<49152x512xf32, #tpu.memory_space<hbm>>
    %dma_wait3A_515 = tpu.memref_slice %arg13[%dma_wait3A_507] : memref<3x!tpu.dma_semaphore, #tpu.memory_space<semaphore_mem>> -> memref<1x!tpu.dma_semaphore, #tpu.memory_space<semaphore_mem>>
    %dma_wait3A_516 = tpu.memref_squeeze %dma_wait3A_515 : memref<1x!tpu.dma_semaphore, #tpu.memory_space<semaphore_mem>> -> memref<!tpu.dma_semaphore, #tpu.memory_space<semaphore_mem>>
    tpu.wait_indirect_dma semaphore(%dma_wait3A_516 : memref<!tpu.dma_semaphore, #tpu.memory_space<semaphore_mem>>) src(%dma_wait3A_514 : memref<49152x512xf32, #tpu.memory_space<hbm>>) dst(%dma_wait3A_511 : memref<64x512xf32, #tpu.memory_space<vmem>>)
    %sub3A_517 = arith.constant 32 : i32
    %sub3A_518 = vector.broadcast %sub3A_517 : i32 to vector<16xi32>
    %sub3A_519 = arith.subi %sub3A_292, %sub3A_518 : vector<16xi32>
    %scan3A_520 = arith.constant 0 : i32
    %scan3A_521 = arith.constant 0 : i32
    %scan3A_522 = arith.constant 64 : i32
    %scan3A_523 = arith.addi %scan3A_521, %scan3A_522 : i32
    %scan3A_524 = arith.constant 1 : i32
    scf.for %scan3A_597 = %scan3A_521 to %scan3A_523 step %scan3A_524  : i32 {
      %sub3A_598 = arith.constant 32 : i32
      %sub3A_599 = vector.broadcast %sub3A_598 : i32 to vector<16xi32>
      %sub3A_600 = arith.subi %sub3A_283, %sub3A_599 : vector<16xi32>
      %add3A_601 = vector.broadcast %scan3A_597 : i32 to vector<16xi32>
      %add3A_602 = arith.addi %sub3A_600, %add3A_601 : vector<16xi32>
      %ge3A = arith.constant 0 : i32
      %ge3A_603 = vector.broadcast %ge3A : i32 to vector<16xi32>
      %ge3A_604 = arith.cmpi sge, %add3A_602, %ge3A_603 : vector<16xi32>
      %sub3A_605 = arith.constant 32 : i32
      %sub3A_606 = vector.broadcast %sub3A_605 : i32 to vector<16xi32>
      %sub3A_607 = arith.subi %sub3A_283, %sub3A_606 : vector<16xi32>
      %add3A_608 = vector.broadcast %scan3A_597 : i32 to vector<16xi32>
      %add3A_609 = arith.addi %sub3A_607, %add3A_608 : vector<16xi32>
      %lt3A = arith.constant 512 : i32
      %lt3A_610 = vector.broadcast %lt3A : i32 to vector<16xi32>
      %lt3A_611 = arith.cmpi slt, %add3A_609, %lt3A_610 : vector<16xi32>
      %and3A_612 = arith.andi %ge3A_604, %lt3A_611 : vector<16xi1>
      %broadcast_in_dim3A_613 = vector.broadcast %scan3A_597 : i32 to vector<16xi32>
      %add3A_614 = arith.constant 0 : i32
      %add3A_615 = vector.broadcast %add3A_614 : i32 to vector<16xi32>
      %add3A_616 = arith.addi %iota3A, %add3A_615 : vector<16xi32>
      %add3A_617 = arith.addi %sub3A_519, %add3A_616 : vector<16xi32>
      %ge3A_618 = arith.constant 0 : i32
      %ge3A_619 = vector.broadcast %ge3A_618 : i32 to vector<16xi32>
      %ge3A_620 = arith.cmpi sge, %add3A_617, %ge3A_619 : vector<16xi32>
      %lt3A_621 = arith.constant 512 : i32
      %lt3A_622 = vector.broadcast %lt3A_621 : i32 to vector<16xi32>
      %lt3A_623 = arith.cmpi slt, %add3A_617, %lt3A_622 : vector<16xi32>
      %and3A_624 = arith.andi %ge3A_620, %lt3A_623 : vector<16xi1>
      %jit3A_625 = arith.constant 0 : i32
      %jit3A_626 = arith.constant 511 : i32
      %max3A_627 = vector.broadcast %jit3A_625 : i32 to vector<16xi32>
      %max3A_628 = arith.maxsi %max3A_627, %add3A_617 : vector<16xi32>
      %min3A_629 = vector.broadcast %jit3A_626 : i32 to vector<16xi32>
      %min3A_630 = arith.minsi %min3A_629, %max3A_628 : vector<16xi32>
      %gather3A_631 = arith.constant 2 : i32
      %gather3A_632 = arith.constant 0 : i32
      %gather3A_633 = arith.constant 0 : i32
      %gather3A_634 = tpu.memref_slice %arg9[%gather3A_631, %gather3A_632, %gather3A_633] : memref<3x64x512xf32, #tpu.memory_space<vmem>> -> memref<1x64x512xf32, #tpu.memory_space<vmem>>
      %gather3A_635 = tpu.memref_squeeze %gather3A_634 : memref<1x64x512xf32, #tpu.memory_space<vmem>> -> memref<64x512xf32, #tpu.memory_space<vmem>>
      %gather3A_636 = tpu.vector_load_idx %gather3A_635[%broadcast_in_dim3A_613, %min3A_630] : memref<64x512xf32, #tpu.memory_space<vmem>>[vector<16xi32>, vector<16xi32>], vector<16xf32>,
      %and3A_637 = arith.andi %and3A_612, %and3A_624 : vector<16xi1>
      %jit3A_638 = arith.constant 0.000000e+00 : f32
      %broadcast_in_dim3A_639 = vector.broadcast %jit3A_638 : f32 to vector<16xf32>
      %select_n3A_640 = arith.select %and3A_637, %gather3A_636, %broadcast_in_dim3A_639 : vector<16xi1>, vector<16xf32>
      %swap3A_641 = arith.index_cast %scan3A_597 : i32 to index
      %swap3A_642 = arith.constant 0 : index
      %swap3A_643 = tpu.vector_load %arg12[%swap3A_641, %swap3A_642] {strides = array<i32>} : memref<64x64xf32, #tpu.memory_space<vmem>>, vector<16xf32>,
      tpu.vector_store %arg12[%swap3A_641, %swap3A_642], %select_n3A_640 {strides = array<i32>} : memref<64x64xf32, #tpu.memory_space<vmem>>, vector<16xf32>,
      %add3A_644 = arith.constant 16 : i32
      %add3A_645 = vector.broadcast %add3A_644 : i32 to vector<16xi32>
      %add3A_646 = arith.addi %iota3A, %add3A_645 : vector<16xi32>
      %add3A_647 = arith.addi %sub3A_519, %add3A_646 : vector<16xi32>
      %ge3A_648 = arith.constant 0 : i32
      %ge3A_649 = vector.broadcast %ge3A_648 : i32 to vector<16xi32>
      %ge3A_650 = arith.cmpi sge, %add3A_647, %ge3A_649 : vector<16xi32>
      %lt3A_651 = arith.constant 512 : i32
      %lt3A_652 = vector.broadcast %lt3A_651 : i32 to vector<16xi32>
      %lt3A_653 = arith.cmpi slt, %add3A_647, %lt3A_652 : vector<16xi32>
      %and3A_654 = arith.andi %ge3A_650, %lt3A_653 : vector<16xi1>
      %jit3A_655 = arith.constant 0 : i32
      %jit3A_656 = arith.constant 511 : i32
      %max3A_657 = vector.broadcast %jit3A_655 : i32 to vector<16xi32>
      %max3A_658 = arith.maxsi %max3A_657, %add3A_647 : vector<16xi32>
      %min3A_659 = vector.broadcast %jit3A_656 : i32 to vector<16xi32>
      %min3A_660 = arith.minsi %min3A_659, %max3A_658 : vector<16xi32>
      %gather3A_661 = arith.constant 2 : i32
      %gather3A_662 = arith.constant 0 : i32
      %gather3A_663 = arith.constant 0 : i32
      %gather3A_664 = tpu.memref_slice %arg9[%gather3A_661, %gather3A_662, %gather3A_663] : memref<3x64x512xf32, #tpu.memory_space<vmem>> -> memref<1x64x512xf32, #tpu.memory_space<vmem>>
      %gather3A_665 = tpu.memref_squeeze %gather3A_664 : memref<1x64x512xf32, #tpu.memory_space<vmem>> -> memref<64x512xf32, #tpu.memory_space<vmem>>
      %gather3A_666 = tpu.vector_load_idx %gather3A_665[%broadcast_in_dim3A_613, %min3A_660] : memref<64x512xf32, #tpu.memory_space<vmem>>[vector<16xi32>, vector<16xi32>], vector<16xf32>,
      %and3A_667 = arith.andi %and3A_612, %and3A_654 : vector<16xi1>
      %jit3A_668 = arith.constant 0.000000e+00 : f32
      %broadcast_in_dim3A_669 = vector.broadcast %jit3A_668 : f32 to vector<16xf32>
      %select_n3A_670 = arith.select %and3A_667, %gather3A_666, %broadcast_in_dim3A_669 : vector<16xi1>, vector<16xf32>
      %swap3A_671 = arith.index_cast %scan3A_597 : i32 to index
      %swap3A_672 = arith.constant 16 : index
      %swap3A_673 = tpu.vector_load %arg12[%swap3A_671, %swap3A_672] {strides = array<i32>} : memref<64x64xf32, #tpu.memory_space<vmem>>, vector<16xf32>,
      tpu.vector_store %arg12[%swap3A_671, %swap3A_672], %select_n3A_670 {strides = array<i32>} : memref<64x64xf32, #tpu.memory_space<vmem>>, vector<16xf32>,
      %add3A_674 = arith.constant 32 : i32
      %add3A_675 = vector.broadcast %add3A_674 : i32 to vector<16xi32>
      %add3A_676 = arith.addi %iota3A, %add3A_675 : vector<16xi32>
      %add3A_677 = arith.addi %sub3A_519, %add3A_676 : vector<16xi32>
      %ge3A_678 = arith.constant 0 : i32
      %ge3A_679 = vector.broadcast %ge3A_678 : i32 to vector<16xi32>
      %ge3A_680 = arith.cmpi sge, %add3A_677, %ge3A_679 : vector<16xi32>
      %lt3A_681 = arith.constant 512 : i32
      %lt3A_682 = vector.broadcast %lt3A_681 : i32 to vector<16xi32>
      %lt3A_683 = arith.cmpi slt, %add3A_677, %lt3A_682 : vector<16xi32>
      %and3A_684 = arith.andi %ge3A_680, %lt3A_683 : vector<16xi1>
      %jit3A_685 = arith.constant 0 : i32
      %jit3A_686 = arith.constant 511 : i32
      %max3A_687 = vector.broadcast %jit3A_685 : i32 to vector<16xi32>
      %max3A_688 = arith.maxsi %max3A_687, %add3A_677 : vector<16xi32>
      %min3A_689 = vector.broadcast %jit3A_686 : i32 to vector<16xi32>
      %min3A_690 = arith.minsi %min3A_689, %max3A_688 : vector<16xi32>
      %gather3A_691 = arith.constant 2 : i32
      %gather3A_692 = arith.constant 0 : i32
      %gather3A_693 = arith.constant 0 : i32
      %gather3A_694 = tpu.memref_slice %arg9[%gather3A_691, %gather3A_692, %gather3A_693] : memref<3x64x512xf32, #tpu.memory_space<vmem>> -> memref<1x64x512xf32, #tpu.memory_space<vmem>>
      %gather3A_695 = tpu.memref_squeeze %gather3A_694 : memref<1x64x512xf32, #tpu.memory_space<vmem>> -> memref<64x512xf32, #tpu.memory_space<vmem>>
      %gather3A_696 = tpu.vector_load_idx %gather3A_695[%broadcast_in_dim3A_613, %min3A_690] : memref<64x512xf32, #tpu.memory_space<vmem>>[vector<16xi32>, vector<16xi32>], vector<16xf32>,
      %and3A_697 = arith.andi %and3A_612, %and3A_684 : vector<16xi1>
      %jit3A_698 = arith.constant 0.000000e+00 : f32
      %broadcast_in_dim3A_699 = vector.broadcast %jit3A_698 : f32 to vector<16xf32>
      %select_n3A_700 = arith.select %and3A_697, %gather3A_696, %broadcast_in_dim3A_699 : vector<16xi1>, vector<16xf32>
      %swap3A_701 = arith.index_cast %scan3A_597 : i32 to index
      %swap3A_702 = arith.constant 32 : index
      %swap3A_703 = tpu.vector_load %arg12[%swap3A_701, %swap3A_702] {strides = array<i32>} : memref<64x64xf32, #tpu.memory_space<vmem>>, vector<16xf32>,
      tpu.vector_store %arg12[%swap3A_701, %swap3A_702], %select_n3A_700 {strides = array<i32>} : memref<64x64xf32, #tpu.memory_space<vmem>>, vector<16xf32>,
      %add3A_704 = arith.constant 48 : i32
      %add3A_705 = vector.broadcast %add3A_704 : i32 to vector<16xi32>
      %add3A_706 = arith.addi %iota3A, %add3A_705 : vector<16xi32>
      %add3A_707 = arith.addi %sub3A_519, %add3A_706 : vector<16xi32>
      %ge3A_708 = arith.constant 0 : i32
      %ge3A_709 = vector.broadcast %ge3A_708 : i32 to vector<16xi32>
      %ge3A_710 = arith.cmpi sge, %add3A_707, %ge3A_709 : vector<16xi32>
      %lt3A_711 = arith.constant 512 : i32
      %lt3A_712 = vector.broadcast %lt3A_711 : i32 to vector<16xi32>
      %lt3A_713 = arith.cmpi slt, %add3A_707, %lt3A_712 : vector<16xi32>
      %and3A_714 = arith.andi %ge3A_710, %lt3A_713 : vector<16xi1>
      %jit3A_715 = arith.constant 0 : i32
      %jit3A_716 = arith.constant 511 : i32
      %max3A_717 = vector.broadcast %jit3A_715 : i32 to vector<16xi32>
      %max3A_718 = arith.maxsi %max3A_717, %add3A_707 : vector<16xi32>
      %min3A_719 = vector.broadcast %jit3A_716 : i32 to vector<16xi32>
      %min3A_720 = arith.minsi %min3A_719, %max3A_718 : vector<16xi32>
      %gather3A_721 = arith.constant 2 : i32
      %gather3A_722 = arith.constant 0 : i32
      %gather3A_723 = arith.constant 0 : i32
      %gather3A_724 = tpu.memref_slice %arg9[%gather3A_721, %gather3A_722, %gather3A_723] : memref<3x64x512xf32, #tpu.memory_space<vmem>> -> memref<1x64x512xf32, #tpu.memory_space<vmem>>
      %gather3A_725 = tpu.memref_squeeze %gather3A_724 : memref<1x64x512xf32, #tpu.memory_space<vmem>> -> memref<64x512xf32, #tpu.memory_space<vmem>>
      %gather3A_726 = tpu.vector_load_idx %gather3A_725[%broadcast_in_dim3A_613, %min3A_720] : memref<64x512xf32, #tpu.memory_space<vmem>>[vector<16xi32>, vector<16xi32>], vector<16xf32>,
      %and3A_727 = arith.andi %and3A_612, %and3A_714 : vector<16xi1>
      %jit3A_728 = arith.constant 0.000000e+00 : f32
      %broadcast_in_dim3A_729 = vector.broadcast %jit3A_728 : f32 to vector<16xf32>
      %select_n3A_730 = arith.select %and3A_727, %gather3A_726, %broadcast_in_dim3A_729 : vector<16xi1>, vector<16xf32>
      %swap3A_731 = arith.index_cast %scan3A_597 : i32 to index
      %swap3A_732 = arith.constant 48 : index
      %swap3A_733 = tpu.vector_load %arg12[%swap3A_731, %swap3A_732] {strides = array<i32>} : memref<64x64xf32, #tpu.memory_space<vmem>>, vector<16xf32>,
      tpu.vector_store %arg12[%swap3A_731, %swap3A_732], %select_n3A_730 {strides = array<i32>} : memref<64x64xf32, #tpu.memory_space<vmem>>, vector<16xf32>,
    }
    %scan3A_525 = arith.constant 64 : i32
    %jit3A_526 = arith.constant 3 : i32
    %div3A_527 = arith.divsi %add3A_505, %jit3A_526 : i32
    %sign3A_528 = arith.constant 0 : i32
    %sign3A_529 = arith.cmpi sgt, %add3A_505, %sign3A_528 : i32
    %sign3A_530 = arith.extui %sign3A_529 : i1 to i32
    %sign3A_531 = arith.constant 0 : i32
    %sign3A_532 = arith.cmpi slt, %add3A_505, %sign3A_531 : i32
    %sign3A_533 = arith.extui %sign3A_532 : i1 to i32
    %sign3A_534 = arith.subi %sign3A_530, %sign3A_533 : i32
    %sign3A_535 = arith.constant 0 : i32
    %sign3A_536 = arith.cmpi sgt, %jit3A_526, %sign3A_535 : i32
    %sign3A_537 = arith.extui %sign3A_536 : i1 to i32
    %sign3A_538 = arith.constant 0 : i32
    %sign3A_539 = arith.cmpi slt, %jit3A_526, %sign3A_538 : i32
    %sign3A_540 = arith.extui %sign3A_539 : i1 to i32
    %sign3A_541 = arith.subi %sign3A_537, %sign3A_540 : i32
    %ne3A_542 = arith.cmpi ne, %sign3A_534, %sign3A_541 : i32
    %rem3A_543 = arith.remsi %add3A_505, %jit3A_526 : i32
    %ne3A_544 = arith.constant 0 : i32
    %ne3A_545 = arith.cmpi ne, %rem3A_543, %ne3A_544 : i32
    %and3A_546 = arith.andi %ne3A_542, %ne3A_545 : i1
    %sub3A_547 = arith.constant 1 : i32
    %sub3A_548 = arith.subi %div3A_527, %sub3A_547 : i32
    %select_n3A_549 = arith.select %and3A_546, %sub3A_548, %div3A_527 : i32
    %mul3A_550 = arith.constant 3 : i32
    %mul3A_551 = arith.muli %select_n3A_549, %mul3A_550 : i32
    %sub3A_552 = arith.subi %add3A_505, %mul3A_551 : i32
    %dma_start3A_553 = arith.constant 2 : i32
    %dma_start3A_554 = arith.constant 0 : i32
    %dma_start3A_555 = arith.constant 0 : i32
    %dma_start3A_556 = tpu.memref_slice %arg4[%select_n3A_549, %sub3A_552, %dma_start3A_554, %dma_start3A_555] : memref<32x3x64x64xf32, #tpu.memory_space<hbm>> -> memref<1x1x64x64xf32, #tpu.memory_space<hbm>>
    %dma_start3A_557 = tpu.memref_squeeze %dma_start3A_556 : memref<1x1x64x64xf32, #tpu.memory_space<hbm>> -> memref<64x64xf32, #tpu.memory_space<hbm>>
    %dma_start3A_558 = tpu.memref_slice %arg14[%dma_start3A_553] : memref<3x!tpu.dma_semaphore, #tpu.memory_space<semaphore_mem>> -> memref<1x!tpu.dma_semaphore, #tpu.memory_space<semaphore_mem>>
    %dma_start3A_559 = tpu.memref_squeeze %dma_start3A_558 : memref<1x!tpu.dma_semaphore, #tpu.memory_space<semaphore_mem>> -> memref<!tpu.dma_semaphore, #tpu.memory_space<semaphore_mem>>
    %dma_start3A_560 = arith.constant 0 : i32
    %dma_start3A_561 = arith.constant 0 : i32
    %dma_start3A_562 = tpu.memref_slice %arg4[%select_n3A_549, %sub3A_552, %dma_start3A_560, %dma_start3A_561] : memref<32x3x64x64xf32, #tpu.memory_space<hbm>> -> memref<1x1x64x64xf32, #tpu.memory_space<hbm>>
    %dma_start3A_563 = tpu.memref_squeeze %dma_start3A_562 : memref<1x1x64x64xf32, #tpu.memory_space<hbm>> -> memref<64x64xf32, #tpu.memory_space<hbm>>
    tpu.enqueue_dma source(%arg12 : memref<64x64xf32, #tpu.memory_space<vmem>>) target(%dma_start3A_563 : memref<64x64xf32, #tpu.memory_space<hbm>>) target_semaphore(%dma_start3A_559 : memref<!tpu.dma_semaphore, #tpu.memory_space<semaphore_mem>>)
    %dma_wait3A_564 = arith.constant 0 : i32
    %dma_wait3A_565 = arith.constant 0 : i32
    %dma_wait3A_566 = arith.constant 0 : i32
    %dma_wait3A_567 = tpu.memref_slice %arg4[%select_n3A_425, %sub3A_428, %dma_wait3A_565, %dma_wait3A_566] : memref<32x3x64x64xf32, #tpu.memory_space<hbm>> -> memref<1x1x64x64xf32, #tpu.memory_space<hbm>>
    %dma_wait3A_568 = tpu.memref_squeeze %dma_wait3A_567 : memref<1x1x64x64xf32, #tpu.memory_space<hbm>> -> memref<64x64xf32, #tpu.memory_space<hbm>>
    %dma_wait3A_569 = tpu.memref_slice %arg14[%dma_wait3A_564] : memref<3x!tpu.dma_semaphore, #tpu.memory_space<semaphore_mem>> -> memref<1x!tpu.dma_semaphore, #tpu.memory_space<semaphore_mem>>
    %dma_wait3A_570 = tpu.memref_squeeze %dma_wait3A_569 : memref<1x!tpu.dma_semaphore, #tpu.memory_space<semaphore_mem>> -> memref<!tpu.dma_semaphore, #tpu.memory_space<semaphore_mem>>
    %dma_wait3A_571 = arith.constant 0 : i32
    %dma_wait3A_572 = arith.constant 0 : i32
    %dma_wait3A_573 = tpu.memref_slice %arg4[%select_n3A_425, %sub3A_428, %dma_wait3A_571, %dma_wait3A_572] : memref<32x3x64x64xf32, #tpu.memory_space<hbm>> -> memref<1x1x64x64xf32, #tpu.memory_space<hbm>>
    %dma_wait3A_574 = tpu.memref_squeeze %dma_wait3A_573 : memref<1x1x64x64xf32, #tpu.memory_space<hbm>> -> memref<64x64xf32, #tpu.memory_space<hbm>>
    tpu.wait_dma2 semaphore(%dma_wait3A_570 : memref<!tpu.dma_semaphore, #tpu.memory_space<semaphore_mem>>) src(%arg10 : memref<64x64xf32, #tpu.memory_space<vmem>>) dst(%dma_wait3A_574 : memref<64x64xf32, #tpu.memory_space<hbm>>)
    %dma_wait3A_575 = arith.constant 1 : i32
    %dma_wait3A_576 = arith.constant 0 : i32
    %dma_wait3A_577 = arith.constant 0 : i32
    %dma_wait3A_578 = tpu.memref_slice %arg4[%select_n3A_487, %sub3A_490, %dma_wait3A_576, %dma_wait3A_577] : memref<32x3x64x64xf32, #tpu.memory_space<hbm>> -> memref<1x1x64x64xf32, #tpu.memory_space<hbm>>
    %dma_wait3A_579 = tpu.memref_squeeze %dma_wait3A_578 : memref<1x1x64x64xf32, #tpu.memory_space<hbm>> -> memref<64x64xf32, #tpu.memory_space<hbm>>
    %dma_wait3A_580 = tpu.memref_slice %arg14[%dma_wait3A_575] : memref<3x!tpu.dma_semaphore, #tpu.memory_space<semaphore_mem>> -> memref<1x!tpu.dma_semaphore, #tpu.memory_space<semaphore_mem>>
    %dma_wait3A_581 = tpu.memref_squeeze %dma_wait3A_580 : memref<1x!tpu.dma_semaphore, #tpu.memory_space<semaphore_mem>> -> memref<!tpu.dma_semaphore, #tpu.memory_space<semaphore_mem>>
    %dma_wait3A_582 = arith.constant 0 : i32
    %dma_wait3A_583 = arith.constant 0 : i32
    %dma_wait3A_584 = tpu.memref_slice %arg4[%select_n3A_487, %sub3A_490, %dma_wait3A_582, %dma_wait3A_583] : memref<32x3x64x64xf32, #tpu.memory_space<hbm>> -> memref<1x1x64x64xf32, #tpu.memory_space<hbm>>
    %dma_wait3A_585 = tpu.memref_squeeze %dma_wait3A_584 : memref<1x1x64x64xf32, #tpu.memory_space<hbm>> -> memref<64x64xf32, #tpu.memory_space<hbm>>
    tpu.wait_dma2 semaphore(%dma_wait3A_581 : memref<!tpu.dma_semaphore, #tpu.memory_space<semaphore_mem>>) src(%arg11 : memref<64x64xf32, #tpu.memory_space<vmem>>) dst(%dma_wait3A_585 : memref<64x64xf32, #tpu.memory_space<hbm>>)
    %dma_wait3A_586 = arith.constant 2 : i32
    %dma_wait3A_587 = arith.constant 0 : i32
    %dma_wait3A_588 = arith.constant 0 : i32
    %dma_wait3A_589 = tpu.memref_slice %arg4[%select_n3A_549, %sub3A_552, %dma_wait3A_587, %dma_wait3A_588] : memref<32x3x64x64xf32, #tpu.memory_space<hbm>> -> memref<1x1x64x64xf32, #tpu.memory_space<hbm>>
    %dma_wait3A_590 = tpu.memref_squeeze %dma_wait3A_589 : memref<1x1x64x64xf32, #tpu.memory_space<hbm>> -> memref<64x64xf32, #tpu.memory_space<hbm>>
    %dma_wait3A_591 = tpu.memref_slice %arg14[%dma_wait3A_586] : memref<3x!tpu.dma_semaphore, #tpu.memory_space<semaphore_mem>> -> memref<1x!tpu.dma_semaphore, #tpu.memory_space<semaphore_mem>>
    %dma_wait3A_592 = tpu.memref_squeeze %dma_wait3A_591 : memref<1x!tpu.dma_semaphore, #tpu.memory_space<semaphore_mem>> -> memref<!tpu.dma_semaphore, #tpu.memory_space<semaphore_mem>>
    %dma_wait3A_593 = arith.constant 0 : i32
    %dma_wait3A_594 = arith.constant 0 : i32
    %dma_wait3A_595 = tpu.memref_slice %arg4[%select_n3A_549, %sub3A_552, %dma_wait3A_593, %dma_wait3A_594] : memref<32x3x64x64xf32, #tpu.memory_space<hbm>> -> memref<1x1x64x64xf32, #tpu.memory_space<hbm>>
    %dma_wait3A_596 = tpu.memref_squeeze %dma_wait3A_595 : memref<1x1x64x64xf32, #tpu.memory_space<hbm>> -> memref<64x64xf32, #tpu.memory_space<hbm>>
    tpu.wait_dma2 semaphore(%dma_wait3A_592 : memref<!tpu.dma_semaphore, #tpu.memory_space<semaphore_mem>>) src(%arg12 : memref<64x64xf32, #tpu.memory_space<vmem>>) dst(%dma_wait3A_596 : memref<64x64xf32, #tpu.memory_space<hbm>>)
    return
  }
}

module attributes {stable_mosaic.version = 14 : i64} {
  func.func @_tc_full_body(%arg0: i32, %arg1: memref<32x4xi32, #tpu.memory_space<smem>>, %arg2: memref<32x3x512x512xf32, #tpu.memory_space<any>>, %arg3: memref<4x3x512x512xf32, #tpu.memory_space<vmem>>, %arg4: memref<2x4x3x72x256xf32, #tpu.memory_space<vmem>>, %arg5: memref<2x4x!tpu.dma_semaphore, #tpu.memory_space<semaphore_mem>>) attributes {dimension_semantics = [#tpu.dimension_semantics<arbitrary>], iteration_bounds = array<i64: 8>, scalar_prefetch = 0 : i64, scratch_operands = 2 : i64, tpu.core_type = #tpu.core_type<tc>, window_params = [{transform_indices = @transform_0, window_bounds = array<i64: 32, 4>}, {}, {transform_indices = @transform_2, window_bounds = array<i64: 4, 3, 512, 512>}]} {
    %rem3A = arith.constant 2 : i32
    %rem3A_0 = arith.remsi %arg0, %rem3A : i32
    %eq3A = arith.constant 0 : i32
    %eq3A_1 = arith.cmpi eq, %arg0, %eq3A : i32
    %convert_element_type3A = arith.extui %eq3A_1 : i1 to i32
    %cond3A = arith.constant 0 : i32
    %cond3A_2 = arith.cmpi ne, %convert_element_type3A, %cond3A : i32
    scf.if %cond3A_2 {
      %mul3A_276 = arith.constant 4 : i32
      %mul3A_277 = arith.muli %arg0, %mul3A_276 : i32
      %add3A_278 = arith.constant 0 : i32
      %add3A_279 = arith.addi %mul3A_277, %add3A_278 : i32
      %get3A_280 = arith.index_cast %add3A_279 : i32 to index
      %get3A_281 = arith.constant 2 : index
      %get3A_282 = memref.load %arg1[%get3A_280, %get3A_281] : memref<32x4xi32, #tpu.memory_space<smem>>
      %multiple_of3A_283 = tpu.assume_multiple %get3A_282, 8 : i32
      %get3A_284 = arith.index_cast %add3A_279 : i32 to index
      %get3A_285 = arith.constant 3 : index
      %get3A_286 = memref.load %arg1[%get3A_284, %get3A_285] : memref<32x4xi32, #tpu.memory_space<smem>>
      %multiple_of3A_287 = tpu.assume_multiple %get3A_286, 128 : i32
      %dma_start3A = arith.constant 0 : i32
      %dma_start3A_288 = arith.constant 0 : i32
      %dma_start3A_289 = tpu.memref_slice %arg5[%rem3A_0, %dma_start3A_288] : memref<2x4x!tpu.dma_semaphore, #tpu.memory_space<semaphore_mem>> -> memref<1x1x!tpu.dma_semaphore, #tpu.memory_space<semaphore_mem>>
      %dma_start3A_290 = tpu.memref_squeeze %dma_start3A_289 : memref<1x1x!tpu.dma_semaphore, #tpu.memory_space<semaphore_mem>> -> memref<!tpu.dma_semaphore, #tpu.memory_space<semaphore_mem>>
      %dma_start3A_291 = arith.constant 0 : i32
      %dma_start3A_292 = arith.constant 0 : i32
      %dma_start3A_293 = arith.constant 0 : i32
      %dma_start3A_294 = tpu.memref_slice %arg4[%rem3A_0, %dma_start3A, %dma_start3A_291, %dma_start3A_292, %dma_start3A_293] : memref<2x4x3x72x256xf32, #tpu.memory_space<vmem>> -> memref<1x1x3x72x256xf32, #tpu.memory_space<vmem>>
      %dma_start3A_295 = tpu.memref_squeeze %dma_start3A_294 : memref<1x1x3x72x256xf32, #tpu.memory_space<vmem>> -> memref<3x72x256xf32, #tpu.memory_space<vmem>>
      %dma_start3A_296 = arith.constant 0 : i32
      %dma_start3A_297 = tpu.memref_slice %arg2[%add3A_279, %dma_start3A_296, %multiple_of3A_283, %multiple_of3A_287] : memref<32x3x512x512xf32, #tpu.memory_space<any>> -> memref<1x3x72x256xf32, #tpu.memory_space<any>>
      %dma_start3A_298 = tpu.memref_squeeze %dma_start3A_297 : memref<1x3x72x256xf32, #tpu.memory_space<any>> -> memref<3x72x256xf32, #tpu.memory_space<any>>
      tpu.enqueue_dma source(%dma_start3A_298 : memref<3x72x256xf32, #tpu.memory_space<any>>) target(%dma_start3A_295 : memref<3x72x256xf32, #tpu.memory_space<vmem>>) target_semaphore(%dma_start3A_290 : memref<!tpu.dma_semaphore, #tpu.memory_space<semaphore_mem>>)
      %mul3A_299 = arith.constant 4 : i32
      %mul3A_300 = arith.muli %arg0, %mul3A_299 : i32
      %add3A_301 = arith.constant 1 : i32
      %add3A_302 = arith.addi %mul3A_300, %add3A_301 : i32
      %get3A_303 = arith.index_cast %add3A_302 : i32 to index
      %get3A_304 = arith.constant 2 : index
      %get3A_305 = memref.load %arg1[%get3A_303, %get3A_304] : memref<32x4xi32, #tpu.memory_space<smem>>
      %multiple_of3A_306 = tpu.assume_multiple %get3A_305, 8 : i32
      %get3A_307 = arith.index_cast %add3A_302 : i32 to index
      %get3A_308 = arith.constant 3 : index
      %get3A_309 = memref.load %arg1[%get3A_307, %get3A_308] : memref<32x4xi32, #tpu.memory_space<smem>>
      %multiple_of3A_310 = tpu.assume_multiple %get3A_309, 128 : i32
      %dma_start3A_311 = arith.constant 1 : i32
      %dma_start3A_312 = arith.constant 1 : i32
      %dma_start3A_313 = tpu.memref_slice %arg5[%rem3A_0, %dma_start3A_312] : memref<2x4x!tpu.dma_semaphore, #tpu.memory_space<semaphore_mem>> -> memref<1x1x!tpu.dma_semaphore, #tpu.memory_space<semaphore_mem>>
      %dma_start3A_314 = tpu.memref_squeeze %dma_start3A_313 : memref<1x1x!tpu.dma_semaphore, #tpu.memory_space<semaphore_mem>> -> memref<!tpu.dma_semaphore, #tpu.memory_space<semaphore_mem>>
      %dma_start3A_315 = arith.constant 0 : i32
      %dma_start3A_316 = arith.constant 0 : i32
      %dma_start3A_317 = arith.constant 0 : i32
      %dma_start3A_318 = tpu.memref_slice %arg4[%rem3A_0, %dma_start3A_311, %dma_start3A_315, %dma_start3A_316, %dma_start3A_317] : memref<2x4x3x72x256xf32, #tpu.memory_space<vmem>> -> memref<1x1x3x72x256xf32, #tpu.memory_space<vmem>>
      %dma_start3A_319 = tpu.memref_squeeze %dma_start3A_318 : memref<1x1x3x72x256xf32, #tpu.memory_space<vmem>> -> memref<3x72x256xf32, #tpu.memory_space<vmem>>
      %dma_start3A_320 = arith.constant 0 : i32
      %dma_start3A_321 = tpu.memref_slice %arg2[%add3A_302, %dma_start3A_320, %multiple_of3A_306, %multiple_of3A_310] : memref<32x3x512x512xf32, #tpu.memory_space<any>> -> memref<1x3x72x256xf32, #tpu.memory_space<any>>
      %dma_start3A_322 = tpu.memref_squeeze %dma_start3A_321 : memref<1x3x72x256xf32, #tpu.memory_space<any>> -> memref<3x72x256xf32, #tpu.memory_space<any>>
      tpu.enqueue_dma source(%dma_start3A_322 : memref<3x72x256xf32, #tpu.memory_space<any>>) target(%dma_start3A_319 : memref<3x72x256xf32, #tpu.memory_space<vmem>>) target_semaphore(%dma_start3A_314 : memref<!tpu.dma_semaphore, #tpu.memory_space<semaphore_mem>>)
      %mul3A_323 = arith.constant 4 : i32
      %mul3A_324 = arith.muli %arg0, %mul3A_323 : i32
      %add3A_325 = arith.constant 2 : i32
      %add3A_326 = arith.addi %mul3A_324, %add3A_325 : i32
      %get3A_327 = arith.index_cast %add3A_326 : i32 to index
      %get3A_328 = arith.constant 2 : index
      %get3A_329 = memref.load %arg1[%get3A_327, %get3A_328] : memref<32x4xi32, #tpu.memory_space<smem>>
      %multiple_of3A_330 = tpu.assume_multiple %get3A_329, 8 : i32
      %get3A_331 = arith.index_cast %add3A_326 : i32 to index
      %get3A_332 = arith.constant 3 : index
      %get3A_333 = memref.load %arg1[%get3A_331, %get3A_332] : memref<32x4xi32, #tpu.memory_space<smem>>
      %multiple_of3A_334 = tpu.assume_multiple %get3A_333, 128 : i32
      %dma_start3A_335 = arith.constant 2 : i32
      %dma_start3A_336 = arith.constant 2 : i32
      %dma_start3A_337 = tpu.memref_slice %arg5[%rem3A_0, %dma_start3A_336] : memref<2x4x!tpu.dma_semaphore, #tpu.memory_space<semaphore_mem>> -> memref<1x1x!tpu.dma_semaphore, #tpu.memory_space<semaphore_mem>>
      %dma_start3A_338 = tpu.memref_squeeze %dma_start3A_337 : memref<1x1x!tpu.dma_semaphore, #tpu.memory_space<semaphore_mem>> -> memref<!tpu.dma_semaphore, #tpu.memory_space<semaphore_mem>>
      %dma_start3A_339 = arith.constant 0 : i32
      %dma_start3A_340 = arith.constant 0 : i32
      %dma_start3A_341 = arith.constant 0 : i32
      %dma_start3A_342 = tpu.memref_slice %arg4[%rem3A_0, %dma_start3A_335, %dma_start3A_339, %dma_start3A_340, %dma_start3A_341] : memref<2x4x3x72x256xf32, #tpu.memory_space<vmem>> -> memref<1x1x3x72x256xf32, #tpu.memory_space<vmem>>
      %dma_start3A_343 = tpu.memref_squeeze %dma_start3A_342 : memref<1x1x3x72x256xf32, #tpu.memory_space<vmem>> -> memref<3x72x256xf32, #tpu.memory_space<vmem>>
      %dma_start3A_344 = arith.constant 0 : i32
      %dma_start3A_345 = tpu.memref_slice %arg2[%add3A_326, %dma_start3A_344, %multiple_of3A_330, %multiple_of3A_334] : memref<32x3x512x512xf32, #tpu.memory_space<any>> -> memref<1x3x72x256xf32, #tpu.memory_space<any>>
      %dma_start3A_346 = tpu.memref_squeeze %dma_start3A_345 : memref<1x3x72x256xf32, #tpu.memory_space<any>> -> memref<3x72x256xf32, #tpu.memory_space<any>>
      tpu.enqueue_dma source(%dma_start3A_346 : memref<3x72x256xf32, #tpu.memory_space<any>>) target(%dma_start3A_343 : memref<3x72x256xf32, #tpu.memory_space<vmem>>) target_semaphore(%dma_start3A_338 : memref<!tpu.dma_semaphore, #tpu.memory_space<semaphore_mem>>)
      %mul3A_347 = arith.constant 4 : i32
      %mul3A_348 = arith.muli %arg0, %mul3A_347 : i32
      %add3A_349 = arith.constant 3 : i32
      %add3A_350 = arith.addi %mul3A_348, %add3A_349 : i32
      %get3A_351 = arith.index_cast %add3A_350 : i32 to index
      %get3A_352 = arith.constant 2 : index
      %get3A_353 = memref.load %arg1[%get3A_351, %get3A_352] : memref<32x4xi32, #tpu.memory_space<smem>>
      %multiple_of3A_354 = tpu.assume_multiple %get3A_353, 8 : i32
      %get3A_355 = arith.index_cast %add3A_350 : i32 to index
      %get3A_356 = arith.constant 3 : index
      %get3A_357 = memref.load %arg1[%get3A_355, %get3A_356] : memref<32x4xi32, #tpu.memory_space<smem>>
      %multiple_of3A_358 = tpu.assume_multiple %get3A_357, 128 : i32
      %dma_start3A_359 = arith.constant 3 : i32
      %dma_start3A_360 = arith.constant 3 : i32
      %dma_start3A_361 = tpu.memref_slice %arg5[%rem3A_0, %dma_start3A_360] : memref<2x4x!tpu.dma_semaphore, #tpu.memory_space<semaphore_mem>> -> memref<1x1x!tpu.dma_semaphore, #tpu.memory_space<semaphore_mem>>
      %dma_start3A_362 = tpu.memref_squeeze %dma_start3A_361 : memref<1x1x!tpu.dma_semaphore, #tpu.memory_space<semaphore_mem>> -> memref<!tpu.dma_semaphore, #tpu.memory_space<semaphore_mem>>
      %dma_start3A_363 = arith.constant 0 : i32
      %dma_start3A_364 = arith.constant 0 : i32
      %dma_start3A_365 = arith.constant 0 : i32
      %dma_start3A_366 = tpu.memref_slice %arg4[%rem3A_0, %dma_start3A_359, %dma_start3A_363, %dma_start3A_364, %dma_start3A_365] : memref<2x4x3x72x256xf32, #tpu.memory_space<vmem>> -> memref<1x1x3x72x256xf32, #tpu.memory_space<vmem>>
      %dma_start3A_367 = tpu.memref_squeeze %dma_start3A_366 : memref<1x1x3x72x256xf32, #tpu.memory_space<vmem>> -> memref<3x72x256xf32, #tpu.memory_space<vmem>>
      %dma_start3A_368 = arith.constant 0 : i32
      %dma_start3A_369 = tpu.memref_slice %arg2[%add3A_350, %dma_start3A_368, %multiple_of3A_354, %multiple_of3A_358] : memref<32x3x512x512xf32, #tpu.memory_space<any>> -> memref<1x3x72x256xf32, #tpu.memory_space<any>>
      %dma_start3A_370 = tpu.memref_squeeze %dma_start3A_369 : memref<1x3x72x256xf32, #tpu.memory_space<any>> -> memref<3x72x256xf32, #tpu.memory_space<any>>
      tpu.enqueue_dma source(%dma_start3A_370 : memref<3x72x256xf32, #tpu.memory_space<any>>) target(%dma_start3A_367 : memref<3x72x256xf32, #tpu.memory_space<vmem>>) target_semaphore(%dma_start3A_362 : memref<!tpu.dma_semaphore, #tpu.memory_space<semaphore_mem>>)
    } else {
    }
    %add3A = arith.constant 1 : i32
    %add3A_3 = arith.addi %arg0, %add3A : i32
    %lt3A = arith.constant 8 : i32
    %lt3A_4 = arith.cmpi slt, %add3A_3, %lt3A : i32
    %convert_element_type3A_5 = arith.extui %lt3A_4 : i1 to i32
    %cond3A_6 = arith.constant 0 : i32
    %cond3A_7 = arith.cmpi ne, %convert_element_type3A_5, %cond3A_6 : i32
    scf.if %cond3A_7 {
      %add3A_276 = arith.constant 1 : i32
      %add3A_277 = arith.addi %arg0, %add3A_276 : i32
      %sub3A = arith.constant 1 : i32
      %sub3A_278 = arith.subi %sub3A, %rem3A_0 : i32
      %mul3A_279 = arith.constant 4 : i32
      %mul3A_280 = arith.muli %add3A_277, %mul3A_279 : i32
      %add3A_281 = arith.constant 0 : i32
      %add3A_282 = arith.addi %mul3A_280, %add3A_281 : i32
      %get3A_283 = arith.index_cast %add3A_282 : i32 to index
      %get3A_284 = arith.constant 2 : index
      %get3A_285 = memref.load %arg1[%get3A_283, %get3A_284] : memref<32x4xi32, #tpu.memory_space<smem>>
      %multiple_of3A_286 = tpu.assume_multiple %get3A_285, 8 : i32
      %get3A_287 = arith.index_cast %add3A_282 : i32 to index
      %get3A_288 = arith.constant 3 : index
      %get3A_289 = memref.load %arg1[%get3A_287, %get3A_288] : memref<32x4xi32, #tpu.memory_space<smem>>
      %multiple_of3A_290 = tpu.assume_multiple %get3A_289, 128 : i32
      %dma_start3A = arith.constant 0 : i32
      %dma_start3A_291 = arith.constant 0 : i32
      %dma_start3A_292 = tpu.memref_slice %arg5[%sub3A_278, %dma_start3A_291] : memref<2x4x!tpu.dma_semaphore, #tpu.memory_space<semaphore_mem>> -> memref<1x1x!tpu.dma_semaphore, #tpu.memory_space<semaphore_mem>>
      %dma_start3A_293 = tpu.memref_squeeze %dma_start3A_292 : memref<1x1x!tpu.dma_semaphore, #tpu.memory_space<semaphore_mem>> -> memref<!tpu.dma_semaphore, #tpu.memory_space<semaphore_mem>>
      %dma_start3A_294 = arith.constant 0 : i32
      %dma_start3A_295 = arith.constant 0 : i32
      %dma_start3A_296 = arith.constant 0 : i32
      %dma_start3A_297 = tpu.memref_slice %arg4[%sub3A_278, %dma_start3A, %dma_start3A_294, %dma_start3A_295, %dma_start3A_296] : memref<2x4x3x72x256xf32, #tpu.memory_space<vmem>> -> memref<1x1x3x72x256xf32, #tpu.memory_space<vmem>>
      %dma_start3A_298 = tpu.memref_squeeze %dma_start3A_297 : memref<1x1x3x72x256xf32, #tpu.memory_space<vmem>> -> memref<3x72x256xf32, #tpu.memory_space<vmem>>
      %dma_start3A_299 = arith.constant 0 : i32
      %dma_start3A_300 = tpu.memref_slice %arg2[%add3A_282, %dma_start3A_299, %multiple_of3A_286, %multiple_of3A_290] : memref<32x3x512x512xf32, #tpu.memory_space<any>> -> memref<1x3x72x256xf32, #tpu.memory_space<any>>
      %dma_start3A_301 = tpu.memref_squeeze %dma_start3A_300 : memref<1x3x72x256xf32, #tpu.memory_space<any>> -> memref<3x72x256xf32, #tpu.memory_space<any>>
      tpu.enqueue_dma source(%dma_start3A_301 : memref<3x72x256xf32, #tpu.memory_space<any>>) target(%dma_start3A_298 : memref<3x72x256xf32, #tpu.memory_space<vmem>>) target_semaphore(%dma_start3A_293 : memref<!tpu.dma_semaphore, #tpu.memory_space<semaphore_mem>>)
      %mul3A_302 = arith.constant 4 : i32
      %mul3A_303 = arith.muli %add3A_277, %mul3A_302 : i32
      %add3A_304 = arith.constant 1 : i32
      %add3A_305 = arith.addi %mul3A_303, %add3A_304 : i32
      %get3A_306 = arith.index_cast %add3A_305 : i32 to index
      %get3A_307 = arith.constant 2 : index
      %get3A_308 = memref.load %arg1[%get3A_306, %get3A_307] : memref<32x4xi32, #tpu.memory_space<smem>>
      %multiple_of3A_309 = tpu.assume_multiple %get3A_308, 8 : i32
      %get3A_310 = arith.index_cast %add3A_305 : i32 to index
      %get3A_311 = arith.constant 3 : index
      %get3A_312 = memref.load %arg1[%get3A_310, %get3A_311] : memref<32x4xi32, #tpu.memory_space<smem>>
      %multiple_of3A_313 = tpu.assume_multiple %get3A_312, 128 : i32
      %dma_start3A_314 = arith.constant 1 : i32
      %dma_start3A_315 = arith.constant 1 : i32
      %dma_start3A_316 = tpu.memref_slice %arg5[%sub3A_278, %dma_start3A_315] : memref<2x4x!tpu.dma_semaphore, #tpu.memory_space<semaphore_mem>> -> memref<1x1x!tpu.dma_semaphore, #tpu.memory_space<semaphore_mem>>
      %dma_start3A_317 = tpu.memref_squeeze %dma_start3A_316 : memref<1x1x!tpu.dma_semaphore, #tpu.memory_space<semaphore_mem>> -> memref<!tpu.dma_semaphore, #tpu.memory_space<semaphore_mem>>
      %dma_start3A_318 = arith.constant 0 : i32
      %dma_start3A_319 = arith.constant 0 : i32
      %dma_start3A_320 = arith.constant 0 : i32
      %dma_start3A_321 = tpu.memref_slice %arg4[%sub3A_278, %dma_start3A_314, %dma_start3A_318, %dma_start3A_319, %dma_start3A_320] : memref<2x4x3x72x256xf32, #tpu.memory_space<vmem>> -> memref<1x1x3x72x256xf32, #tpu.memory_space<vmem>>
      %dma_start3A_322 = tpu.memref_squeeze %dma_start3A_321 : memref<1x1x3x72x256xf32, #tpu.memory_space<vmem>> -> memref<3x72x256xf32, #tpu.memory_space<vmem>>
      %dma_start3A_323 = arith.constant 0 : i32
      %dma_start3A_324 = tpu.memref_slice %arg2[%add3A_305, %dma_start3A_323, %multiple_of3A_309, %multiple_of3A_313] : memref<32x3x512x512xf32, #tpu.memory_space<any>> -> memref<1x3x72x256xf32, #tpu.memory_space<any>>
      %dma_start3A_325 = tpu.memref_squeeze %dma_start3A_324 : memref<1x3x72x256xf32, #tpu.memory_space<any>> -> memref<3x72x256xf32, #tpu.memory_space<any>>
      tpu.enqueue_dma source(%dma_start3A_325 : memref<3x72x256xf32, #tpu.memory_space<any>>) target(%dma_start3A_322 : memref<3x72x256xf32, #tpu.memory_space<vmem>>) target_semaphore(%dma_start3A_317 : memref<!tpu.dma_semaphore, #tpu.memory_space<semaphore_mem>>)
      %mul3A_326 = arith.constant 4 : i32
      %mul3A_327 = arith.muli %add3A_277, %mul3A_326 : i32
      %add3A_328 = arith.constant 2 : i32
      %add3A_329 = arith.addi %mul3A_327, %add3A_328 : i32
      %get3A_330 = arith.index_cast %add3A_329 : i32 to index
      %get3A_331 = arith.constant 2 : index
      %get3A_332 = memref.load %arg1[%get3A_330, %get3A_331] : memref<32x4xi32, #tpu.memory_space<smem>>
      %multiple_of3A_333 = tpu.assume_multiple %get3A_332, 8 : i32
      %get3A_334 = arith.index_cast %add3A_329 : i32 to index
      %get3A_335 = arith.constant 3 : index
      %get3A_336 = memref.load %arg1[%get3A_334, %get3A_335] : memref<32x4xi32, #tpu.memory_space<smem>>
      %multiple_of3A_337 = tpu.assume_multiple %get3A_336, 128 : i32
      %dma_start3A_338 = arith.constant 2 : i32
      %dma_start3A_339 = arith.constant 2 : i32
      %dma_start3A_340 = tpu.memref_slice %arg5[%sub3A_278, %dma_start3A_339] : memref<2x4x!tpu.dma_semaphore, #tpu.memory_space<semaphore_mem>> -> memref<1x1x!tpu.dma_semaphore, #tpu.memory_space<semaphore_mem>>
      %dma_start3A_341 = tpu.memref_squeeze %dma_start3A_340 : memref<1x1x!tpu.dma_semaphore, #tpu.memory_space<semaphore_mem>> -> memref<!tpu.dma_semaphore, #tpu.memory_space<semaphore_mem>>
      %dma_start3A_342 = arith.constant 0 : i32
      %dma_start3A_343 = arith.constant 0 : i32
      %dma_start3A_344 = arith.constant 0 : i32
      %dma_start3A_345 = tpu.memref_slice %arg4[%sub3A_278, %dma_start3A_338, %dma_start3A_342, %dma_start3A_343, %dma_start3A_344] : memref<2x4x3x72x256xf32, #tpu.memory_space<vmem>> -> memref<1x1x3x72x256xf32, #tpu.memory_space<vmem>>
      %dma_start3A_346 = tpu.memref_squeeze %dma_start3A_345 : memref<1x1x3x72x256xf32, #tpu.memory_space<vmem>> -> memref<3x72x256xf32, #tpu.memory_space<vmem>>
      %dma_start3A_347 = arith.constant 0 : i32
      %dma_start3A_348 = tpu.memref_slice %arg2[%add3A_329, %dma_start3A_347, %multiple_of3A_333, %multiple_of3A_337] : memref<32x3x512x512xf32, #tpu.memory_space<any>> -> memref<1x3x72x256xf32, #tpu.memory_space<any>>
      %dma_start3A_349 = tpu.memref_squeeze %dma_start3A_348 : memref<1x3x72x256xf32, #tpu.memory_space<any>> -> memref<3x72x256xf32, #tpu.memory_space<any>>
      tpu.enqueue_dma source(%dma_start3A_349 : memref<3x72x256xf32, #tpu.memory_space<any>>) target(%dma_start3A_346 : memref<3x72x256xf32, #tpu.memory_space<vmem>>) target_semaphore(%dma_start3A_341 : memref<!tpu.dma_semaphore, #tpu.memory_space<semaphore_mem>>)
      %mul3A_350 = arith.constant 4 : i32
      %mul3A_351 = arith.muli %add3A_277, %mul3A_350 : i32
      %add3A_352 = arith.constant 3 : i32
      %add3A_353 = arith.addi %mul3A_351, %add3A_352 : i32
      %get3A_354 = arith.index_cast %add3A_353 : i32 to index
      %get3A_355 = arith.constant 2 : index
      %get3A_356 = memref.load %arg1[%get3A_354, %get3A_355] : memref<32x4xi32, #tpu.memory_space<smem>>
      %multiple_of3A_357 = tpu.assume_multiple %get3A_356, 8 : i32
      %get3A_358 = arith.index_cast %add3A_353 : i32 to index
      %get3A_359 = arith.constant 3 : index
      %get3A_360 = memref.load %arg1[%get3A_358, %get3A_359] : memref<32x4xi32, #tpu.memory_space<smem>>
      %multiple_of3A_361 = tpu.assume_multiple %get3A_360, 128 : i32
      %dma_start3A_362 = arith.constant 3 : i32
      %dma_start3A_363 = arith.constant 3 : i32
      %dma_start3A_364 = tpu.memref_slice %arg5[%sub3A_278, %dma_start3A_363] : memref<2x4x!tpu.dma_semaphore, #tpu.memory_space<semaphore_mem>> -> memref<1x1x!tpu.dma_semaphore, #tpu.memory_space<semaphore_mem>>
      %dma_start3A_365 = tpu.memref_squeeze %dma_start3A_364 : memref<1x1x!tpu.dma_semaphore, #tpu.memory_space<semaphore_mem>> -> memref<!tpu.dma_semaphore, #tpu.memory_space<semaphore_mem>>
      %dma_start3A_366 = arith.constant 0 : i32
      %dma_start3A_367 = arith.constant 0 : i32
      %dma_start3A_368 = arith.constant 0 : i32
      %dma_start3A_369 = tpu.memref_slice %arg4[%sub3A_278, %dma_start3A_362, %dma_start3A_366, %dma_start3A_367, %dma_start3A_368] : memref<2x4x3x72x256xf32, #tpu.memory_space<vmem>> -> memref<1x1x3x72x256xf32, #tpu.memory_space<vmem>>
      %dma_start3A_370 = tpu.memref_squeeze %dma_start3A_369 : memref<1x1x3x72x256xf32, #tpu.memory_space<vmem>> -> memref<3x72x256xf32, #tpu.memory_space<vmem>>
      %dma_start3A_371 = arith.constant 0 : i32
      %dma_start3A_372 = tpu.memref_slice %arg2[%add3A_353, %dma_start3A_371, %multiple_of3A_357, %multiple_of3A_361] : memref<32x3x512x512xf32, #tpu.memory_space<any>> -> memref<1x3x72x256xf32, #tpu.memory_space<any>>
      %dma_start3A_373 = tpu.memref_squeeze %dma_start3A_372 : memref<1x3x72x256xf32, #tpu.memory_space<any>> -> memref<3x72x256xf32, #tpu.memory_space<any>>
      tpu.enqueue_dma source(%dma_start3A_373 : memref<3x72x256xf32, #tpu.memory_space<any>>) target(%dma_start3A_370 : memref<3x72x256xf32, #tpu.memory_space<vmem>>) target_semaphore(%dma_start3A_365 : memref<!tpu.dma_semaphore, #tpu.memory_space<semaphore_mem>>)
    } else {
    }
    %broadcast_in_dim3A = arith.constant 0.000000e+00 : f32
    %broadcast_in_dim3A_8 = vector.broadcast %broadcast_in_dim3A : f32 to vector<4x3x512x512xf32>
    %swap3A = arith.constant 0 : index
    %swap3A_9 = arith.constant 0 : index
    %swap3A_10 = arith.constant 0 : index
    %swap3A_11 = arith.constant 0 : index
    %swap3A_12 = vector.load %arg3[%swap3A, %swap3A_9, %swap3A_10, %swap3A_11] : memref<4x3x512x512xf32, #tpu.memory_space<vmem>>, vector<4x3x512x512xf32>
    tpu.vector_store %arg3[%swap3A, %swap3A_9, %swap3A_10, %swap3A_11], %broadcast_in_dim3A_8 {strides = array<i32>} : memref<4x3x512x512xf32, #tpu.memory_space<vmem>>, vector<4x3x512x512xf32>,
    %mul3A = arith.constant 4 : i32
    %mul3A_13 = arith.muli %arg0, %mul3A : i32
    %add3A_14 = arith.constant 0 : i32
    %add3A_15 = arith.addi %mul3A_13, %add3A_14 : i32
    %get3A = arith.index_cast %add3A_15 : i32 to index
    %get3A_16 = arith.constant 0 : index
    %get3A_17 = memref.load %arg1[%get3A, %get3A_16] : memref<32x4xi32, #tpu.memory_space<smem>>
    %get3A_18 = arith.index_cast %add3A_15 : i32 to index
    %get3A_19 = arith.constant 1 : index
    %get3A_20 = memref.load %arg1[%get3A_18, %get3A_19] : memref<32x4xi32, #tpu.memory_space<smem>>
    %get3A_21 = arith.index_cast %add3A_15 : i32 to index
    %get3A_22 = arith.constant 2 : index
    %get3A_23 = memref.load %arg1[%get3A_21, %get3A_22] : memref<32x4xi32, #tpu.memory_space<smem>>
    %multiple_of3A = tpu.assume_multiple %get3A_23, 8 : i32
    %get3A_24 = arith.index_cast %add3A_15 : i32 to index
    %get3A_25 = arith.constant 3 : index
    %get3A_26 = memref.load %arg1[%get3A_24, %get3A_25] : memref<32x4xi32, #tpu.memory_space<smem>>
    %multiple_of3A_27 = tpu.assume_multiple %get3A_26, 128 : i32
    %dma_wait3A = arith.constant 0 : i32
    %dma_wait3A_28 = arith.constant 0 : i32
    %dma_wait3A_29 = tpu.memref_slice %arg5[%rem3A_0, %dma_wait3A_28] : memref<2x4x!tpu.dma_semaphore, #tpu.memory_space<semaphore_mem>> -> memref<1x1x!tpu.dma_semaphore, #tpu.memory_space<semaphore_mem>>
    %dma_wait3A_30 = tpu.memref_squeeze %dma_wait3A_29 : memref<1x1x!tpu.dma_semaphore, #tpu.memory_space<semaphore_mem>> -> memref<!tpu.dma_semaphore, #tpu.memory_space<semaphore_mem>>
    %dma_wait3A_31 = arith.constant 0 : i32
    %dma_wait3A_32 = arith.constant 0 : i32
    %dma_wait3A_33 = arith.constant 0 : i32
    %dma_wait3A_34 = tpu.memref_slice %arg4[%rem3A_0, %dma_wait3A, %dma_wait3A_31, %dma_wait3A_32, %dma_wait3A_33] : memref<2x4x3x72x256xf32, #tpu.memory_space<vmem>> -> memref<1x1x3x72x256xf32, #tpu.memory_space<vmem>>
    %dma_wait3A_35 = tpu.memref_squeeze %dma_wait3A_34 : memref<1x1x3x72x256xf32, #tpu.memory_space<vmem>> -> memref<3x72x256xf32, #tpu.memory_space<vmem>>
    %dma_wait3A_36 = arith.constant 0 : i32
    %dma_wait3A_37 = tpu.memref_slice %arg2[%add3A_15, %dma_wait3A_36, %multiple_of3A, %multiple_of3A_27] : memref<32x3x512x512xf32, #tpu.memory_space<any>> -> memref<1x3x72x256xf32, #tpu.memory_space<any>>
    %dma_wait3A_38 = tpu.memref_squeeze %dma_wait3A_37 : memref<1x3x72x256xf32, #tpu.memory_space<any>> -> memref<3x72x256xf32, #tpu.memory_space<any>>
    tpu.wait_dma2 semaphore(%dma_wait3A_30 : memref<!tpu.dma_semaphore, #tpu.memory_space<semaphore_mem>>) src(%dma_wait3A_38 : memref<3x72x256xf32, #tpu.memory_space<any>>) dst(%dma_wait3A_35 : memref<3x72x256xf32, #tpu.memory_space<vmem>>)
    %iota3A = tpu.iota {dimensions = array<i32: 1>} : vector<3x72x256xi32>
    %add3A_39 = vector.broadcast %multiple_of3A : i32 to vector<3x72x256xi32>
    %add3A_40 = arith.addi %add3A_39, %iota3A : vector<3x72x256xi32>
    %iota3A_41 = tpu.iota {dimensions = array<i32: 2>} : vector<3x72x256xi32>
    %add3A_42 = vector.broadcast %multiple_of3A_27 : i32 to vector<3x72x256xi32>
    %add3A_43 = arith.addi %add3A_42, %iota3A_41 : vector<3x72x256xi32>
    %ge3A = vector.broadcast %get3A_17 : i32 to vector<3x72x256xi32>
    %ge3A_44 = arith.cmpi sge, %add3A_40, %ge3A : vector<3x72x256xi32>
    %add3A_45 = arith.constant 64 : i32
    %add3A_46 = arith.addi %get3A_17, %add3A_45 : i32
    %lt3A_47 = vector.broadcast %add3A_46 : i32 to vector<3x72x256xi32>
    %lt3A_48 = arith.cmpi slt, %add3A_40, %lt3A_47 : vector<3x72x256xi32>
    %and3A = arith.andi %ge3A_44, %lt3A_48 : vector<3x72x256xi1>
    %ge3A_49 = vector.broadcast %get3A_20 : i32 to vector<3x72x256xi32>
    %ge3A_50 = arith.cmpi sge, %add3A_43, %ge3A_49 : vector<3x72x256xi32>
    %and3A_51 = arith.andi %and3A, %ge3A_50 : vector<3x72x256xi1>
    %add3A_52 = arith.constant 64 : i32
    %add3A_53 = arith.addi %get3A_20, %add3A_52 : i32
    %lt3A_54 = vector.broadcast %add3A_53 : i32 to vector<3x72x256xi32>
    %lt3A_55 = arith.cmpi slt, %add3A_43, %lt3A_54 : vector<3x72x256xi32>
    %and3A_56 = arith.andi %and3A_51, %lt3A_55 : vector<3x72x256xi1>
    %get3A_57 = arith.index_cast %rem3A_0 : i32 to index
    %get3A_58 = arith.constant 0 : index
    %get3A_59 = arith.constant 0 : index
    %get3A_60 = arith.constant 0 : index
    %get3A_61 = arith.constant 0 : index
    %get3A_62 = vector.load %arg4[%get3A_57, %get3A_58, %get3A_59, %get3A_60, %get3A_61] : memref<2x4x3x72x256xf32, #tpu.memory_space<vmem>>, vector<1x1x3x72x256xf32>
    %get3A_63 = vector.shape_cast %get3A_62 : vector<1x1x3x72x256xf32> to vector<3x72x256xf32>
    %jit3A = arith.constant 0.000000e+00 : f32
    %broadcast_in_dim3A_64 = vector.broadcast %jit3A : f32 to vector<3x72x256xf32>
    %select_n3A = arith.select %and3A_56, %get3A_63, %broadcast_in_dim3A_64 : vector<3x72x256xi1>, vector<3x72x256xf32>
    %swap3A_65 = arith.constant 0 : index
    %swap3A_66 = arith.constant 0 : index
    %swap3A_67 = arith.index_cast %multiple_of3A : i32 to index
    %swap3A_68 = arith.index_cast %multiple_of3A_27 : i32 to index
    %swap3A_69 = vector.load %arg3[%swap3A_65, %swap3A_66, %swap3A_67, %swap3A_68] : memref<4x3x512x512xf32, #tpu.memory_space<vmem>>, vector<1x3x72x256xf32>
    %swap3A_70 = vector.shape_cast %swap3A_69 : vector<1x3x72x256xf32> to vector<3x72x256xf32>
    %swap3A_71 = vector.shape_cast %select_n3A : vector<3x72x256xf32> to vector<1x3x72x256xf32>
    tpu.vector_store %arg3[%swap3A_65, %swap3A_66, %swap3A_67, %swap3A_68], %swap3A_71 {strides = array<i32>} : memref<4x3x512x512xf32, #tpu.memory_space<vmem>>, vector<1x3x72x256xf32>,
    %mul3A_72 = arith.constant 4 : i32
    %mul3A_73 = arith.muli %arg0, %mul3A_72 : i32
    %add3A_74 = arith.constant 1 : i32
    %add3A_75 = arith.addi %mul3A_73, %add3A_74 : i32
    %get3A_76 = arith.index_cast %add3A_75 : i32 to index
    %get3A_77 = arith.constant 0 : index
    %get3A_78 = memref.load %arg1[%get3A_76, %get3A_77] : memref<32x4xi32, #tpu.memory_space<smem>>
    %get3A_79 = arith.index_cast %add3A_75 : i32 to index
    %get3A_80 = arith.constant 1 : index
    %get3A_81 = memref.load %arg1[%get3A_79, %get3A_80] : memref<32x4xi32, #tpu.memory_space<smem>>
    %get3A_82 = arith.index_cast %add3A_75 : i32 to index
    %get3A_83 = arith.constant 2 : index
    %get3A_84 = memref.load %arg1[%get3A_82, %get3A_83] : memref<32x4xi32, #tpu.memory_space<smem>>
    %multiple_of3A_85 = tpu.assume_multiple %get3A_84, 8 : i32
    %get3A_86 = arith.index_cast %add3A_75 : i32 to index
    %get3A_87 = arith.constant 3 : index
    %get3A_88 = memref.load %arg1[%get3A_86, %get3A_87] : memref<32x4xi32, #tpu.memory_space<smem>>
    %multiple_of3A_89 = tpu.assume_multiple %get3A_88, 128 : i32
    %dma_wait3A_90 = arith.constant 1 : i32
    %dma_wait3A_91 = arith.constant 1 : i32
    %dma_wait3A_92 = tpu.memref_slice %arg5[%rem3A_0, %dma_wait3A_91] : memref<2x4x!tpu.dma_semaphore, #tpu.memory_space<semaphore_mem>> -> memref<1x1x!tpu.dma_semaphore, #tpu.memory_space<semaphore_mem>>
    %dma_wait3A_93 = tpu.memref_squeeze %dma_wait3A_92 : memref<1x1x!tpu.dma_semaphore, #tpu.memory_space<semaphore_mem>> -> memref<!tpu.dma_semaphore, #tpu.memory_space<semaphore_mem>>
    %dma_wait3A_94 = arith.constant 0 : i32
    %dma_wait3A_95 = arith.constant 0 : i32
    %dma_wait3A_96 = arith.constant 0 : i32
    %dma_wait3A_97 = tpu.memref_slice %arg4[%rem3A_0, %dma_wait3A_90, %dma_wait3A_94, %dma_wait3A_95, %dma_wait3A_96] : memref<2x4x3x72x256xf32, #tpu.memory_space<vmem>> -> memref<1x1x3x72x256xf32, #tpu.memory_space<vmem>>
    %dma_wait3A_98 = tpu.memref_squeeze %dma_wait3A_97 : memref<1x1x3x72x256xf32, #tpu.memory_space<vmem>> -> memref<3x72x256xf32, #tpu.memory_space<vmem>>
    %dma_wait3A_99 = arith.constant 0 : i32
    %dma_wait3A_100 = tpu.memref_slice %arg2[%add3A_75, %dma_wait3A_99, %multiple_of3A_85, %multiple_of3A_89] : memref<32x3x512x512xf32, #tpu.memory_space<any>> -> memref<1x3x72x256xf32, #tpu.memory_space<any>>
    %dma_wait3A_101 = tpu.memref_squeeze %dma_wait3A_100 : memref<1x3x72x256xf32, #tpu.memory_space<any>> -> memref<3x72x256xf32, #tpu.memory_space<any>>
    tpu.wait_dma2 semaphore(%dma_wait3A_93 : memref<!tpu.dma_semaphore, #tpu.memory_space<semaphore_mem>>) src(%dma_wait3A_101 : memref<3x72x256xf32, #tpu.memory_space<any>>) dst(%dma_wait3A_98 : memref<3x72x256xf32, #tpu.memory_space<vmem>>)
    %iota3A_102 = tpu.iota {dimensions = array<i32: 1>} : vector<3x72x256xi32>
    %add3A_103 = vector.broadcast %multiple_of3A_85 : i32 to vector<3x72x256xi32>
    %add3A_104 = arith.addi %add3A_103, %iota3A_102 : vector<3x72x256xi32>
    %iota3A_105 = tpu.iota {dimensions = array<i32: 2>} : vector<3x72x256xi32>
    %add3A_106 = vector.broadcast %multiple_of3A_89 : i32 to vector<3x72x256xi32>
    %add3A_107 = arith.addi %add3A_106, %iota3A_105 : vector<3x72x256xi32>
    %ge3A_108 = vector.broadcast %get3A_78 : i32 to vector<3x72x256xi32>
    %ge3A_109 = arith.cmpi sge, %add3A_104, %ge3A_108 : vector<3x72x256xi32>
    %add3A_110 = arith.constant 64 : i32
    %add3A_111 = arith.addi %get3A_78, %add3A_110 : i32
    %lt3A_112 = vector.broadcast %add3A_111 : i32 to vector<3x72x256xi32>
    %lt3A_113 = arith.cmpi slt, %add3A_104, %lt3A_112 : vector<3x72x256xi32>
    %and3A_114 = arith.andi %ge3A_109, %lt3A_113 : vector<3x72x256xi1>
    %ge3A_115 = vector.broadcast %get3A_81 : i32 to vector<3x72x256xi32>
    %ge3A_116 = arith.cmpi sge, %add3A_107, %ge3A_115 : vector<3x72x256xi32>
    %and3A_117 = arith.andi %and3A_114, %ge3A_116 : vector<3x72x256xi1>
    %add3A_118 = arith.constant 64 : i32
    %add3A_119 = arith.addi %get3A_81, %add3A_118 : i32
    %lt3A_120 = vector.broadcast %add3A_119 : i32 to vector<3x72x256xi32>
    %lt3A_121 = arith.cmpi slt, %add3A_107, %lt3A_120 : vector<3x72x256xi32>
    %and3A_122 = arith.andi %and3A_117, %lt3A_121 : vector<3x72x256xi1>
    %get3A_123 = arith.index_cast %rem3A_0 : i32 to index
    %get3A_124 = arith.constant 1 : index
    %get3A_125 = arith.constant 0 : index
    %get3A_126 = arith.constant 0 : index
    %get3A_127 = arith.constant 0 : index
    %get3A_128 = vector.load %arg4[%get3A_123, %get3A_124, %get3A_125, %get3A_126, %get3A_127] : memref<2x4x3x72x256xf32, #tpu.memory_space<vmem>>, vector<1x1x3x72x256xf32>
    %get3A_129 = vector.shape_cast %get3A_128 : vector<1x1x3x72x256xf32> to vector<3x72x256xf32>
    %jit3A_130 = arith.constant 0.000000e+00 : f32
    %broadcast_in_dim3A_131 = vector.broadcast %jit3A_130 : f32 to vector<3x72x256xf32>
    %select_n3A_132 = arith.select %and3A_122, %get3A_129, %broadcast_in_dim3A_131 : vector<3x72x256xi1>, vector<3x72x256xf32>
    %swap3A_133 = arith.constant 1 : index
    %swap3A_134 = arith.constant 0 : index
    %swap3A_135 = arith.index_cast %multiple_of3A_85 : i32 to index
    %swap3A_136 = arith.index_cast %multiple_of3A_89 : i32 to index
    %swap3A_137 = vector.load %arg3[%swap3A_133, %swap3A_134, %swap3A_135, %swap3A_136] : memref<4x3x512x512xf32, #tpu.memory_space<vmem>>, vector<1x3x72x256xf32>
    %swap3A_138 = vector.shape_cast %swap3A_137 : vector<1x3x72x256xf32> to vector<3x72x256xf32>
    %swap3A_139 = vector.shape_cast %select_n3A_132 : vector<3x72x256xf32> to vector<1x3x72x256xf32>
    tpu.vector_store %arg3[%swap3A_133, %swap3A_134, %swap3A_135, %swap3A_136], %swap3A_139 {strides = array<i32>} : memref<4x3x512x512xf32, #tpu.memory_space<vmem>>, vector<1x3x72x256xf32>,
    %mul3A_140 = arith.constant 4 : i32
    %mul3A_141 = arith.muli %arg0, %mul3A_140 : i32
    %add3A_142 = arith.constant 2 : i32
    %add3A_143 = arith.addi %mul3A_141, %add3A_142 : i32
    %get3A_144 = arith.index_cast %add3A_143 : i32 to index
    %get3A_145 = arith.constant 0 : index
    %get3A_146 = memref.load %arg1[%get3A_144, %get3A_145] : memref<32x4xi32, #tpu.memory_space<smem>>
    %get3A_147 = arith.index_cast %add3A_143 : i32 to index
    %get3A_148 = arith.constant 1 : index
    %get3A_149 = memref.load %arg1[%get3A_147, %get3A_148] : memref<32x4xi32, #tpu.memory_space<smem>>
    %get3A_150 = arith.index_cast %add3A_143 : i32 to index
    %get3A_151 = arith.constant 2 : index
    %get3A_152 = memref.load %arg1[%get3A_150, %get3A_151] : memref<32x4xi32, #tpu.memory_space<smem>>
    %multiple_of3A_153 = tpu.assume_multiple %get3A_152, 8 : i32
    %get3A_154 = arith.index_cast %add3A_143 : i32 to index
    %get3A_155 = arith.constant 3 : index
    %get3A_156 = memref.load %arg1[%get3A_154, %get3A_155] : memref<32x4xi32, #tpu.memory_space<smem>>
    %multiple_of3A_157 = tpu.assume_multiple %get3A_156, 128 : i32
    %dma_wait3A_158 = arith.constant 2 : i32
    %dma_wait3A_159 = arith.constant 2 : i32
    %dma_wait3A_160 = tpu.memref_slice %arg5[%rem3A_0, %dma_wait3A_159] : memref<2x4x!tpu.dma_semaphore, #tpu.memory_space<semaphore_mem>> -> memref<1x1x!tpu.dma_semaphore, #tpu.memory_space<semaphore_mem>>
    %dma_wait3A_161 = tpu.memref_squeeze %dma_wait3A_160 : memref<1x1x!tpu.dma_semaphore, #tpu.memory_space<semaphore_mem>> -> memref<!tpu.dma_semaphore, #tpu.memory_space<semaphore_mem>>
    %dma_wait3A_162 = arith.constant 0 : i32
    %dma_wait3A_163 = arith.constant 0 : i32
    %dma_wait3A_164 = arith.constant 0 : i32
    %dma_wait3A_165 = tpu.memref_slice %arg4[%rem3A_0, %dma_wait3A_158, %dma_wait3A_162, %dma_wait3A_163, %dma_wait3A_164] : memref<2x4x3x72x256xf32, #tpu.memory_space<vmem>> -> memref<1x1x3x72x256xf32, #tpu.memory_space<vmem>>
    %dma_wait3A_166 = tpu.memref_squeeze %dma_wait3A_165 : memref<1x1x3x72x256xf32, #tpu.memory_space<vmem>> -> memref<3x72x256xf32, #tpu.memory_space<vmem>>
    %dma_wait3A_167 = arith.constant 0 : i32
    %dma_wait3A_168 = tpu.memref_slice %arg2[%add3A_143, %dma_wait3A_167, %multiple_of3A_153, %multiple_of3A_157] : memref<32x3x512x512xf32, #tpu.memory_space<any>> -> memref<1x3x72x256xf32, #tpu.memory_space<any>>
    %dma_wait3A_169 = tpu.memref_squeeze %dma_wait3A_168 : memref<1x3x72x256xf32, #tpu.memory_space<any>> -> memref<3x72x256xf32, #tpu.memory_space<any>>
    tpu.wait_dma2 semaphore(%dma_wait3A_161 : memref<!tpu.dma_semaphore, #tpu.memory_space<semaphore_mem>>) src(%dma_wait3A_169 : memref<3x72x256xf32, #tpu.memory_space<any>>) dst(%dma_wait3A_166 : memref<3x72x256xf32, #tpu.memory_space<vmem>>)
    %iota3A_170 = tpu.iota {dimensions = array<i32: 1>} : vector<3x72x256xi32>
    %add3A_171 = vector.broadcast %multiple_of3A_153 : i32 to vector<3x72x256xi32>
    %add3A_172 = arith.addi %add3A_171, %iota3A_170 : vector<3x72x256xi32>
    %iota3A_173 = tpu.iota {dimensions = array<i32: 2>} : vector<3x72x256xi32>
    %add3A_174 = vector.broadcast %multiple_of3A_157 : i32 to vector<3x72x256xi32>
    %add3A_175 = arith.addi %add3A_174, %iota3A_173 : vector<3x72x256xi32>
    %ge3A_176 = vector.broadcast %get3A_146 : i32 to vector<3x72x256xi32>
    %ge3A_177 = arith.cmpi sge, %add3A_172, %ge3A_176 : vector<3x72x256xi32>
    %add3A_178 = arith.constant 64 : i32
    %add3A_179 = arith.addi %get3A_146, %add3A_178 : i32
    %lt3A_180 = vector.broadcast %add3A_179 : i32 to vector<3x72x256xi32>
    %lt3A_181 = arith.cmpi slt, %add3A_172, %lt3A_180 : vector<3x72x256xi32>
    %and3A_182 = arith.andi %ge3A_177, %lt3A_181 : vector<3x72x256xi1>
    %ge3A_183 = vector.broadcast %get3A_149 : i32 to vector<3x72x256xi32>
    %ge3A_184 = arith.cmpi sge, %add3A_175, %ge3A_183 : vector<3x72x256xi32>
    %and3A_185 = arith.andi %and3A_182, %ge3A_184 : vector<3x72x256xi1>
    %add3A_186 = arith.constant 64 : i32
    %add3A_187 = arith.addi %get3A_149, %add3A_186 : i32
    %lt3A_188 = vector.broadcast %add3A_187 : i32 to vector<3x72x256xi32>
    %lt3A_189 = arith.cmpi slt, %add3A_175, %lt3A_188 : vector<3x72x256xi32>
    %and3A_190 = arith.andi %and3A_185, %lt3A_189 : vector<3x72x256xi1>
    %get3A_191 = arith.index_cast %rem3A_0 : i32 to index
    %get3A_192 = arith.constant 2 : index
    %get3A_193 = arith.constant 0 : index
    %get3A_194 = arith.constant 0 : index
    %get3A_195 = arith.constant 0 : index
    %get3A_196 = vector.load %arg4[%get3A_191, %get3A_192, %get3A_193, %get3A_194, %get3A_195] : memref<2x4x3x72x256xf32, #tpu.memory_space<vmem>>, vector<1x1x3x72x256xf32>
    %get3A_197 = vector.shape_cast %get3A_196 : vector<1x1x3x72x256xf32> to vector<3x72x256xf32>
    %jit3A_198 = arith.constant 0.000000e+00 : f32
    %broadcast_in_dim3A_199 = vector.broadcast %jit3A_198 : f32 to vector<3x72x256xf32>
    %select_n3A_200 = arith.select %and3A_190, %get3A_197, %broadcast_in_dim3A_199 : vector<3x72x256xi1>, vector<3x72x256xf32>
    %swap3A_201 = arith.constant 2 : index
    %swap3A_202 = arith.constant 0 : index
    %swap3A_203 = arith.index_cast %multiple_of3A_153 : i32 to index
    %swap3A_204 = arith.index_cast %multiple_of3A_157 : i32 to index
    %swap3A_205 = vector.load %arg3[%swap3A_201, %swap3A_202, %swap3A_203, %swap3A_204] : memref<4x3x512x512xf32, #tpu.memory_space<vmem>>, vector<1x3x72x256xf32>
    %swap3A_206 = vector.shape_cast %swap3A_205 : vector<1x3x72x256xf32> to vector<3x72x256xf32>
    %swap3A_207 = vector.shape_cast %select_n3A_200 : vector<3x72x256xf32> to vector<1x3x72x256xf32>
    tpu.vector_store %arg3[%swap3A_201, %swap3A_202, %swap3A_203, %swap3A_204], %swap3A_207 {strides = array<i32>} : memref<4x3x512x512xf32, #tpu.memory_space<vmem>>, vector<1x3x72x256xf32>,
    %mul3A_208 = arith.constant 4 : i32
    %mul3A_209 = arith.muli %arg0, %mul3A_208 : i32
    %add3A_210 = arith.constant 3 : i32
    %add3A_211 = arith.addi %mul3A_209, %add3A_210 : i32
    %get3A_212 = arith.index_cast %add3A_211 : i32 to index
    %get3A_213 = arith.constant 0 : index
    %get3A_214 = memref.load %arg1[%get3A_212, %get3A_213] : memref<32x4xi32, #tpu.memory_space<smem>>
    %get3A_215 = arith.index_cast %add3A_211 : i32 to index
    %get3A_216 = arith.constant 1 : index
    %get3A_217 = memref.load %arg1[%get3A_215, %get3A_216] : memref<32x4xi32, #tpu.memory_space<smem>>
    %get3A_218 = arith.index_cast %add3A_211 : i32 to index
    %get3A_219 = arith.constant 2 : index
    %get3A_220 = memref.load %arg1[%get3A_218, %get3A_219] : memref<32x4xi32, #tpu.memory_space<smem>>
    %multiple_of3A_221 = tpu.assume_multiple %get3A_220, 8 : i32
    %get3A_222 = arith.index_cast %add3A_211 : i32 to index
    %get3A_223 = arith.constant 3 : index
    %get3A_224 = memref.load %arg1[%get3A_222, %get3A_223] : memref<32x4xi32, #tpu.memory_space<smem>>
    %multiple_of3A_225 = tpu.assume_multiple %get3A_224, 128 : i32
    %dma_wait3A_226 = arith.constant 3 : i32
    %dma_wait3A_227 = arith.constant 3 : i32
    %dma_wait3A_228 = tpu.memref_slice %arg5[%rem3A_0, %dma_wait3A_227] : memref<2x4x!tpu.dma_semaphore, #tpu.memory_space<semaphore_mem>> -> memref<1x1x!tpu.dma_semaphore, #tpu.memory_space<semaphore_mem>>
    %dma_wait3A_229 = tpu.memref_squeeze %dma_wait3A_228 : memref<1x1x!tpu.dma_semaphore, #tpu.memory_space<semaphore_mem>> -> memref<!tpu.dma_semaphore, #tpu.memory_space<semaphore_mem>>
    %dma_wait3A_230 = arith.constant 0 : i32
    %dma_wait3A_231 = arith.constant 0 : i32
    %dma_wait3A_232 = arith.constant 0 : i32
    %dma_wait3A_233 = tpu.memref_slice %arg4[%rem3A_0, %dma_wait3A_226, %dma_wait3A_230, %dma_wait3A_231, %dma_wait3A_232] : memref<2x4x3x72x256xf32, #tpu.memory_space<vmem>> -> memref<1x1x3x72x256xf32, #tpu.memory_space<vmem>>
    %dma_wait3A_234 = tpu.memref_squeeze %dma_wait3A_233 : memref<1x1x3x72x256xf32, #tpu.memory_space<vmem>> -> memref<3x72x256xf32, #tpu.memory_space<vmem>>
    %dma_wait3A_235 = arith.constant 0 : i32
    %dma_wait3A_236 = tpu.memref_slice %arg2[%add3A_211, %dma_wait3A_235, %multiple_of3A_221, %multiple_of3A_225] : memref<32x3x512x512xf32, #tpu.memory_space<any>> -> memref<1x3x72x256xf32, #tpu.memory_space<any>>
    %dma_wait3A_237 = tpu.memref_squeeze %dma_wait3A_236 : memref<1x3x72x256xf32, #tpu.memory_space<any>> -> memref<3x72x256xf32, #tpu.memory_space<any>>
    tpu.wait_dma2 semaphore(%dma_wait3A_229 : memref<!tpu.dma_semaphore, #tpu.memory_space<semaphore_mem>>) src(%dma_wait3A_237 : memref<3x72x256xf32, #tpu.memory_space<any>>) dst(%dma_wait3A_234 : memref<3x72x256xf32, #tpu.memory_space<vmem>>)
    %iota3A_238 = tpu.iota {dimensions = array<i32: 1>} : vector<3x72x256xi32>
    %add3A_239 = vector.broadcast %multiple_of3A_221 : i32 to vector<3x72x256xi32>
    %add3A_240 = arith.addi %add3A_239, %iota3A_238 : vector<3x72x256xi32>
    %iota3A_241 = tpu.iota {dimensions = array<i32: 2>} : vector<3x72x256xi32>
    %add3A_242 = vector.broadcast %multiple_of3A_225 : i32 to vector<3x72x256xi32>
    %add3A_243 = arith.addi %add3A_242, %iota3A_241 : vector<3x72x256xi32>
    %ge3A_244 = vector.broadcast %get3A_214 : i32 to vector<3x72x256xi32>
    %ge3A_245 = arith.cmpi sge, %add3A_240, %ge3A_244 : vector<3x72x256xi32>
    %add3A_246 = arith.constant 64 : i32
    %add3A_247 = arith.addi %get3A_214, %add3A_246 : i32
    %lt3A_248 = vector.broadcast %add3A_247 : i32 to vector<3x72x256xi32>
    %lt3A_249 = arith.cmpi slt, %add3A_240, %lt3A_248 : vector<3x72x256xi32>
    %and3A_250 = arith.andi %ge3A_245, %lt3A_249 : vector<3x72x256xi1>
    %ge3A_251 = vector.broadcast %get3A_217 : i32 to vector<3x72x256xi32>
    %ge3A_252 = arith.cmpi sge, %add3A_243, %ge3A_251 : vector<3x72x256xi32>
    %and3A_253 = arith.andi %and3A_250, %ge3A_252 : vector<3x72x256xi1>
    %add3A_254 = arith.constant 64 : i32
    %add3A_255 = arith.addi %get3A_217, %add3A_254 : i32
    %lt3A_256 = vector.broadcast %add3A_255 : i32 to vector<3x72x256xi32>
    %lt3A_257 = arith.cmpi slt, %add3A_243, %lt3A_256 : vector<3x72x256xi32>
    %and3A_258 = arith.andi %and3A_253, %lt3A_257 : vector<3x72x256xi1>
    %get3A_259 = arith.index_cast %rem3A_0 : i32 to index
    %get3A_260 = arith.constant 3 : index
    %get3A_261 = arith.constant 0 : index
    %get3A_262 = arith.constant 0 : index
    %get3A_263 = arith.constant 0 : index
    %get3A_264 = vector.load %arg4[%get3A_259, %get3A_260, %get3A_261, %get3A_262, %get3A_263] : memref<2x4x3x72x256xf32, #tpu.memory_space<vmem>>, vector<1x1x3x72x256xf32>
    %get3A_265 = vector.shape_cast %get3A_264 : vector<1x1x3x72x256xf32> to vector<3x72x256xf32>
    %jit3A_266 = arith.constant 0.000000e+00 : f32
    %broadcast_in_dim3A_267 = vector.broadcast %jit3A_266 : f32 to vector<3x72x256xf32>
    %select_n3A_268 = arith.select %and3A_258, %get3A_265, %broadcast_in_dim3A_267 : vector<3x72x256xi1>, vector<3x72x256xf32>
    %swap3A_269 = arith.constant 3 : index
    %swap3A_270 = arith.constant 0 : index
    %swap3A_271 = arith.index_cast %multiple_of3A_221 : i32 to index
    %swap3A_272 = arith.index_cast %multiple_of3A_225 : i32 to index
    %swap3A_273 = vector.load %arg3[%swap3A_269, %swap3A_270, %swap3A_271, %swap3A_272] : memref<4x3x512x512xf32, #tpu.memory_space<vmem>>, vector<1x3x72x256xf32>
    %swap3A_274 = vector.shape_cast %swap3A_273 : vector<1x3x72x256xf32> to vector<3x72x256xf32>
    %swap3A_275 = vector.shape_cast %select_n3A_268 : vector<3x72x256xf32> to vector<1x3x72x256xf32>
    tpu.vector_store %arg3[%swap3A_269, %swap3A_270, %swap3A_271, %swap3A_272], %swap3A_275 {strides = array<i32>} : memref<4x3x512x512xf32, #tpu.memory_space<vmem>>, vector<1x3x72x256xf32>,
    return
  }
  func.func @transform_0(%arg0: i32) -> (i32, i32) {
    %c0_i32 = arith.constant 0 : i32
    %c0_i32_0 = arith.constant 0 : i32
    %c0_i32_1 = arith.constant 0 : i32
    return %c0_i32, %c0_i32_0 : i32, i32
  }
  func.func @transform_2(%arg0: i32) -> (i32, i32, i32, i32) {
    %c0_i32 = arith.constant 0 : i32
    %c0_i32_0 = arith.constant 0 : i32
    %c0_i32_1 = arith.constant 0 : i32
    %c0_i32_2 = arith.constant 0 : i32
    return %arg0, %c0_i32, %c0_i32_0, %c0_i32_1 : i32, i32, i32, i32
  }
}

</mosaic_0001>

<sc_bundles>
// kernel: kernel.4.cloned.1.call-start
scs
__scs_entry_jumppad:
0x0: {  	(pc) =	sbr.rel $0x88, $3  }
0x1: {  	(tag) =	ssettag $0x0;
	lr =	simm.s32 $0x1  }
0x2: {  	[smem:$0x3F9F] =	sst lr;
	_ =	strace $0xD0000000  }
0x3: {  	_ = 	snop  }
0x4: {  	_ = 	snop  }
0x5: {  	_ = 	snop  }
0x6: {  	_ = 	snop  }
0x7: {  	_ = 	snop  }
__scs_overlays_trampoline_lowered:
0x8: {  	[smem:$0x3FAE] =	sst s0  }
0x9: {  	[smem:$0x3FAF] =	sst s1  }
0xa: {  	[smem:$0x3FB0] =	sst s2  }
0xb: {  	[smem:$0x3FB1] =	sst s3  }
0xc: {  	[smem:$0x3FB2] =	sst s4  }
0xd: {  	[smem:$0x3FB3] =	sst s5  }
0xe: {  	[smem:$0x3FB4] =	sst s6  }
0xf: {  	[smem:$0x3FB5] =	sst s7  }
0x10: {  	[smem:$0x3FB6] =	sst s8  }
0x11: {  	[smem:$0x3FB7] =	sst s9;
	s0 =	simm.s32 @!p0 $0x0  }
0x12: {  	s1 =	sld [smem:$0x3F9D];
	s0 =	simm.s32 @p0 $0x1  }
0x13: {  	[smem:$0x3FB8] =	sst s0;
	s0 =	simm.s32 @!p1 $0x0  }
0x14: {  	s2 =	sld [smem:$0x3F9C];
	s0 =	simm.s32 @p1 $0x1  }
0x15: {  	[smem:$0x3FB9] =	sst s0;
	s0 =	simm.s32 @!p2 $0x0  }
0x16: {  	s3 =	sld [smem:$0x3FDB];
	s0 =	simm.s32 @p2 $0x1  }
0x17: {  	s4 =	simm.s32 $0x1BF5;
	[smem:$0x3FBB] =	sst s0  }
0x18: {  	s0 =	sld [smem:$0x3F9E];
	_ =	swait.ge [sflag:s4], $0x0  }
0x19: {  	s7 =	sld [smem:$0x3F9F]  }
0x1a: {  	s8 =	sadd.s32 $0xFFFFE003, lr  }
0x1b: {  	s9 =	sadd.s32 $0xFFFFFEF7, lr;
	s5 =	simm.s32 $0xFFFFFFFF;
	p2 =	slt.u32 s8, $0xFFFFF086  }
0x1c: {  	p1 =	slt.u32 s9, $0xF7A;
	s5 =	simm.s32 @!p2 $0x0  }
0x1d: {  	s5 =	simm.s32 @p1 $0x1;
	p0 =	seq.s32 s7, s2  }
0x1e: {  	s7 =	smul.u32 @!p0 $0xF7A, s2;
	p2 =	seq.s32 @!p0 s5, $0x0  }
0x1f: {  	s9 =	smul.u32 $0xF7A, s1;
	s8 =	simm.s32 @!p0 $0x1BF5;
	p2 =	por !p2, p0  }
0x20: {  	[sflag:s8] =	ssyncset.s32 @!p0 $0xFFFFF086;
	s6 =	sadd.s32 @!p0 s3, s7;
	s7 =	simm.s32 @!p0 $0x108  }
0x21: {  	s3 =	sadd.s32 s3, s9;
	s6 =	sadd.s32 @!p0 $0x88, s6;
	s7 =	simm.s32 @p2 $0x1082  }
0x22: {  	[simem:s7], [sflag:s8] =	dma.local @!p0 [hbm:s6], $0xF7A  }
0x23: {  	s9 =	sor.u32 $0xD0000000, s2;
	s6 =	simm.s32 $0x108;
	_ =	swait.ge @!p0 [sflag:s8], $0x0  }
0x24: {  	s3 =	sadd.s32 $0x88, s3;
	s6 =	simm.s32 @!p1 $0x1082;
	[sflag:s4] =	ssyncset.s32 $0xFFFFF086  }
0x25: {  	[simem:s6], [sflag:s4] =	dma.local [hbm:s3], $0xF7A  }
0x26: {  	[smem:$0x3F9F] =	sst s1;
	(tag) =	ssettag s2;
	_ =	strace s9  }
0x27: {  	s1 =	sld [smem:$0x3FAF]  }
0x28: {  	s2 =	sld [smem:$0x3FB0]  }
0x29: {  	s4 =	sld [smem:$0x3FB2]  }
0x2a: {  	p0 =	seq.s32 s5, $0x0;
	s5 =	sld [smem:$0x3FB3]  }
0x2b: {  	s6 =	sld [smem:$0x3FB4]  }
0x2c: {  	s7 =	sld [smem:$0x3FB5]  }
0x2d: {  	s3 =	simm.s32 $0x108;
	s8 =	sld [smem:$0x3FB6]  }
0x2e: {  	s3 =	simm.s32 @!p0 $0x1082;
	s9 =	sld [smem:$0x3FB7]  }
0x2f: {  	lr =	sadd.s32 s0, s3;
	s0 =	sld [smem:$0x3FAE]  }
0x30: {  	s3 =	sld [smem:$0x3FB1]  }
0x31: {  	[smem:$0x3FBA] =	sst s10  }
0x32: {  	s10 =	sld [smem:$0x3FB8];
	_ =	sdelay $0x3  }
0x33: {  	p0 =	seq.s32 s10, $0x1;
	s10 =	sld [smem:$0x3FBA];
	_ =	sdelay $0x3  }
0x34: {  	[smem:$0x3FBA] =	sst s10  }
0x35: {  	s10 =	sld [smem:$0x3FB9];
	_ =	sdelay $0x3  }
0x36: {  	p1 =	seq.s32 s10, $0x1;
	s10 =	sld [smem:$0x3FBA];
	_ =	sdelay $0x3  }
0x37: {  	[smem:$0x3FBA] =	sst s10  }
0x38: {  	s10 =	sld [smem:$0x3FBB]  }
0x39: {  	_ = 	snop;
	(pc) =	sbr.ind lr, $3  }
0x3a: {  	_ = 	snop  }
0x3b: {  	_ = 	snop  }
0x3c: {  	p2 =	seq.s32 s10, $0x1;
	s10 =	sld [smem:$0x3FBA]  }
0x3d: {  	_ =	shalt  }
0x3e: {  	_ =	shalt  }
0x3f: {  	_ =	shalt  }
0x40: {  	_ =	shalt  }
0x41: {  	_ =	shalt  }
0x42: {  	_ =	shalt  }
0x43: {  	_ =	shalt  }
0x44: {  	_ =	shalt  }
0x45: {  	_ =	shalt  }
0x46: {  	_ =	shalt  }
0x47: {  	_ =	shalt  }
0x48: {  	_ =	shalt  }
0x49: {  	_ =	shalt  }
0x4a: {  	_ =	shalt  }
0x4b: {  	_ =	shalt  }
0x4c: {  	_ =	shalt  }
0x4d: {  	_ =	shalt  }
0x4e: {  	_ =	shalt  }
0x4f: {  	_ =	shalt  }
0x50: {  	_ =	shalt  }
0x51: {  	_ =	shalt  }
0x52: {  	_ =	shalt  }
0x53: {  	_ =	shalt  }
0x54: {  	_ =	shalt  }
0x55: {  	_ =	shalt  }
0x56: {  	_ =	shalt  }
0x57: {  	_ =	shalt  }
0x58: {  	_ =	shalt  }
0x59: {  	_ =	shalt  }
0x5a: {  	_ =	shalt  }
0x5b: {  	_ =	shalt  }
0x5c: {  	_ =	shalt  }
0x5d: {  	_ =	shalt  }
0x5e: {  	_ =	shalt  }
0x5f: {  	_ =	shalt  }
0x60: {  	_ =	shalt  }
0x61: {  	_ =	shalt  }
0x62: {  	_ =	shalt  }
0x63: {  	_ =	shalt  }
0x64: {  	_ =	shalt  }
0x65: {  	_ =	shalt  }
0x66: {  	_ =	shalt  }
0x67: {  	_ =	shalt  }
0x68: {  	_ =	shalt  }
0x69: {  	_ =	shalt  }
0x6a: {  	_ =	shalt  }
0x6b: {  	_ =	shalt  }
0x6c: {  	_ =	shalt  }
0x6d: {  	_ =	shalt  }
0x6e: {  	_ =	shalt  }
0x6f: {  	_ =	shalt  }
0x70: {  	_ =	shalt  }
0x71: {  	_ =	shalt  }
0x72: {  	_ =	shalt  }
0x73: {  	_ =	shalt  }
0x74: {  	_ =	shalt  }
0x75: {  	_ =	shalt  }
0x76: {  	_ =	shalt  }
0x77: {  	_ =	shalt  }
0x78: {  	_ =	shalt  }
0x79: {  	_ =	shalt  }
0x7a: {  	_ =	shalt  }
0x7b: {  	_ =	shalt  }
0x7c: {  	_ =	shalt  }
0x7d: {  	_ =	shalt  }
0x7e: {  	_ =	shalt  }
0x7f: {  	_ =	shalt  }
0x80: {  	_ =	shalt  }
0x81: {  	_ =	shalt  }
0x82: {  	_ =	shalt  }
0x83: {  	_ =	shalt  }
0x84: {  	_ =	shalt  }
0x85: {  	_ =	shalt  }
0x86: {  	_ =	shalt  }
0x87: {  	_ =	shalt  }
.Lfunc_end0:
.L_simem_size_0:
called_computation_lowered:
.L_overlay_start_0:
0x88: {  	s2 =	sld [smem:$0x3FD9]  }
0x89: {  	s3 =	sld [smem:$0x3FFE];
	_ =	sdelay $0x1  }
0x8a: {  	s1 =	srdreg.scid  }
0x8b: {  	s0 =	sand.u32 $0x1, s1  }
0x8c: {  	s14 =	sshll.u32 s0, $0xA;
	s2 =	sadd.s32 s3, s2  }
0x8d: {  	s2 =	sadd.s32 s2, s14  }
0x8e: {  	[smem:$0x3FC6] =	sst s2  }
0x8f: {  	_ = 	snop  }
0x90: {  	s2 =	sld [smem:$0x3FD0];
	_ =	sdelay $0x2  }
0x91: {  	s4 =	simm.s32 $0xA;
	s5 =	simm.s32 $0x10;
	s15 =	sld [smem:$0x3FC9]  }
0x92: {  	[smem:s5], [sflag:s4] =	dma.local [hbm:s2], $0x1  }
0x93: {  	_ =	swait.eq [sflag:s4], $0x1  }
0x94: {  	[sflag:s4] =	ssyncset.done $0x0  }
0x95: {  	[sflag:s4] =	ssyncadd.s32 $0xFFFFFFFF  }
0x96: {  	s16 =	sld [smem:$0x11];
	(tm) =	ssettm $0x1  }
0x97: {  	s17 =	sld [smem:$0x3FFB];
	_ =	sdelay $0x3  }
0x98: {  	_ =	strace s17  }
0x99: {  	s4 =	sld [smem:$0x3FFC];
	_ =	sdelay $0x3  }
0x9a: {  	_ =	strace s4  }
0x9b: {  	s4 =	sld [smem:$0x3FFD];
	_ =	sdelay $0x3  }
0x9c: {  	_ =	strace s4  }
0x9d: {  	_ =	strace $0x8FFFFFFF  }
0x9e: {  	s18 =	sld [smem:$0x3FDB];
	_ =	sdelay $0x1  }
0x9f: {  	s19 =	simm.s32 $_scs_section_size  }
0xa0: {  	s6 =	simm.s32 $_size__tile_overlayer_lowered;
	s7 =	simm.s32 $_tile_overlayer_lowered  }
0xa1: {  	s22 =	simm.s32 $0x1BFF;
	s21 =	sshll.u32 s7, $0x1;
	s4 =	sadd.s32 s19, s18  }
0xa2: {  	s8 =	simm.s32 $0x0;
	s20 =	sshll.u32 s6, $0x1;
	s6 =	sadd.s32 s21, s4  }
0xa3: {  	[timem:s8], [sflag:s22] =	dma.local [hbm:s6], s20  }
0xa4: {  	_ =	swait.ge [sflag:s22], s20  }
0xa5: {  	s5 =	ssub.s32 $0x0, s20;
	[sflag:s22] =	ssyncset.done $0x0  }
0xa6: {  	[sflag:s22] =	ssyncadd.s32 s5;
	_ =	sdelay $0x1  }
0xa7: {  	s23 =	simm.s32 $0x1B8B  }
0xa8: {  	_ =	swait.ge [sflag:s23], $0x1  }
0xa9: {  	[sflag:s23] =	ssyncset.done $0x0  }
0xaa: {  	s25 =	simm.s32 $0x1B8E;
	s24 =	sld [smem:$0x3FFE];
	[sflag:s23] =	ssyncadd.s32 $0xFFFFFFFF  }
0xab: {  	s26 =	simm.s32 $execute0_lowered;
	[smem:$0x3FD2] =	sst s25  }
0xac: {  	s6 =	sshll.u32 s26, $0x1;
	_ =	strace $0x80000046;
	[dreg:$0x1] =	wrdreg $0xFFFFFFFF  }
0xad: {  	s28 =	simm.s32 $_size_execute0_lowered;
	s4 =	sadd.s32 s4, s6;
	[dreg:$0x0] =	wrdreg $0x0  }
0xae: {  	s6 =	sshll.u32 s28, $0x1;
	[dreg:$0x2] =	wrdreg s4  }
0xaf: {  	[dreg:$0x3] =	wrdreg s6  }
0xb0: {  	[dreg:$0x4] =	wrdreg $0xC0  }
0xb1: {  	_ =	task [dreg:s8], $0x5FFFF  }
0xb2: {  	[dreg:$0x1] =	wrdreg $0xFFFFFFFF  }
0xb3: {  	[dreg:$0x0] =	wrdreg $0x60  }
0xb4: {  	[dreg:$0x2] =	wrdreg s15  }
0xb5: {  	[dreg:$0x3] =	wrdreg s24  }
0xb6: {  	[dreg:$0x4] =	wrdreg s16  }
0xb7: {  	[dreg:$0x5] =	wrdreg $0x9  }
0xb8: {  	_ =	task.clear_ibuf [dreg:s8], $0x6FFFF;
	_ =	strace $0x90000046  }
0xb9: {  	s29 =	simm.s32 $0x9;
	_ =	strace $0x80000048  }
0xba: {  	_ =	swait.ge [sflag:s29], $0x1  }
0xbb: {  	[sflag:s29] =	ssyncadd.s32 $0xFFFFFFFF  }
0xbc: {  	_ =	strace $0x90000048  }
0xbd: {  	_ =	sfence  }
0xbe: {  	s30 =	sld [smem:$0x0];
	_ =	sdelay $0x2  }
0xbf: {  	s31 =	sshll.u32 s1, $0xD;
	s1 =	sshrl.u32 s1, $0x2  }
0xc0: {  	s3 =	sand.u32 $0x4000, s31;
	s1 =	sadd.s32 s1, s30  }
0xc1: {  	s0 =	sor.u32 s3, s0;
	s1 =	sshll.u32 s1, $0x11  }
0xc2: {  	s0 =	sor.u32 s1, s0  }
0xc3: {  	s0 =	sadd.s32 $0x8F2B, s0  }
0xc4: {  	[sflag:s0] =	ssyncadd.remote.s32 $0x1  }
0xc5: {  	_ =	sfence.sel $0xFFFF  }
0xc6: {  	[dreg:$0x0] =	wrdreg $0xFFFFFFFF;
	(pc) =	sbr.abs _section_cstart, $3  }
0xc7: {  	[dreg:$0x1] =	wrdreg $0xFFFFFFFF  }
0xc8: {  	_ =	task.clear_ibuf [dreg:s8], $0x2FFFF;
	_ =	strace $0x9FFFFFFF  }
0xc9: {  	(tm) =	ssettm $0x7FFFFFFF  }
tec
execute0_lowered:
.L_overlay_start_1:
0x0: {  	(tag) =	ssettag $0x1  }
0x1: {  	s1 =	rddreg [dreg:$0x0]  }
0x2: {  	s0 =	rddreg [dreg:$0x1]  }
0x3: {  	s8 =	rddreg [dreg:$0x2]  }
0x4: {  	s2 =	srdreg.scid;
	s4 =	stileid.u32  }
0x5: {  	s3 =	simm.s32 $0x0;
	s28 =	simm.s32 $0x8200;
	s22 =	simm.s32 $0x10200  }
0x6: {  	s17 =	simm.s32 $0x17A00;
	s18 =	simm.s32 $0x1;
	s19 =	simm.s32 $0x18200  }
0x7: {  	s20 =	simm.s32 $0x2;
	s2 =	sand.u32 $0x1, s2;
	s4 =	sshll.u32 s4, $0x1  }
0x8: {  	s21 =	simm.s32 $0x1A200;
	s29 =	simm.s32 $0x6;
	s6 =	sor.u32 s2, s4  }
0x9: {  	s30 =	simm.s32 $0x0;
	[smem:$0x7FF] =	sst s3;
	s7 =	smul.u32 $0x3, s6  }
0xa: {  	s5 =	ssub.s32 $0x2, s2;
	_ =	strace $0x80000047;
	s24 =	smul.u32 $0x600, s6  }
0xb: {  	s4 =	sadd.s32 $0x800, s0;
	s23 =	sshrl.u32 s5, $0x1;
	s10 =	smul.u32 $0xFFFFFFFD, s6  }
0xc: {  	s12 =	sshll.u32 s6, $0x1;
	s25 =	sshllo.u32 s6, $0x1;
	s13 =	smul.u32 $0x6000, s6  }
0xd: {  	s6 =	smul.u32 $0xC00, s6;
	s9 =	ssub.s32 s5, s23;
	s5 =	sadd.s32 $0x100, s1  }
0xe: {  	v4 =	vmov s12;
	s12 =	simm.s32 $0x15200;
	v0 =	vmov s25;
	s23 =	simm.s32 $0x3;
	s25 =	simm.s32 $0x4  }
0xf: {  	s11 =	sadd.s32 $0x1, s7;
	s7 =	sadd.s32 $0x2, s7;
	s6 =	sadd.s32 s8, s6  }
0x10: {  	s9 =	smax.u32 s9, $0x1;
	v1 =	vmov s24;
	s24 =	simm.s32 $0x1C200;
	s14 =	sadd.s32 s10, s11  }
0x11: {  	s10 =	sadd.s32 s10, s7;
	s15 =	sshll.u32 s11, $0x9;
	s16 =	sshll.u32 s7, $0x9  }
0x12: {  	v11 =	vlaneseq.u32;
	s26 =	sshll.u32 s14, $0xD;
	s10 =	sshll.u32 s10, $0xD;
	s14 =	simm.s32 $0x16200  }
0x13: {  	vm0 =	vmmov $0xffff;
	v2 =	vmov s15;
	s15 =	simm.s32 $0x16A00;
	v3 =	vmov s16;
	s16 =	simm.s32 $0x17200;
	s11 =	sadd.s32 s13, s26  }
0x14: {  	v5 =	vadd.s32 $0xFFFFFFDF, v11;
	v6 =	vadd.s32 $0xFFFFFFEF, v11;
	v7 =	vadd.s32 $0xFFFFFFFF, v11;
	s10 =	sadd.s32 s13, s10;
	s13 =	simm.s32 $0x15A00;
	s26 =	simm.s32 $0x5  }
0x15: {  	v8 =	vadd.s32 $0xF, v11;
	v10 =	vshrl.u32 v11, $0x3;
	v9 =	vand.u32 $0x7, v11;
	s31 =	sshrl.u32 s11, $0x3;
	s10 =	sshrl.u32 s10, $0x3;
	s11 =	simm.s32 $0x200  }
0x16: {  	v11 =	vor.u32 $0x8, v11;
	v10 =	vmul.u32 $0x8, v10;
	v4 =	vbroadcast v4, $0x0;
	s7 =	sadd.s32 s8, s31;
	s8 =	sadd.s32 s8, s10;
	s10 =	simm.s32 $0x7  }
.LBB2_1:
0x17: {  	_ = 	snop  }
0x18: {  	[tilespmem:s3], [sflag:$0x7] =	stream.linear.gather [hbm4b:s4+s3], $0x80, $0x38;
	[tilespmem:$0x1E200] =	vst v63  }
0x19: {  	_ =	swait.ge [sflag:s10], $0x80  }
0x1a: {  	[sflag:s10] =	ssyncset.done $0x0  }
0x1b: {  	[sflag:s10] =	ssyncadd.s32 $0xFFFFFF80  }
0x1c: {  	v17 =	vld.idx.msk [tilespmem:v4+s3+$0x0], $0xffff;
	_ =	sdelay $0x4  }
0x1d: {  	v12 =	vadd.s32 v5, v17  }
0x1e: {  	vm1 =	vgt.s32 v12, $0x0  }
0x1f: {  	v12 =	vnsel vm1, $0x0, v12  }
0x20: {  	v12 =	vmin.u32 v12, $0x1FF  }
0x21: {  	v13 =	vor.u32 v1, v12  }
0x22: {  	v14 =	vshll.u32 v13, $0x2  }
0x23: {  	v15 =	vadd.s32 v6, v17;
	v12 =	vand.u32 $0x7, v12;
	v14 =	vand.u32 $0x7FFFFFE0, v14  }
0x24: {  	vm1 =	vgt.s32 v15, $0x0;
	v12 =	vor.u32 v12, v14  }
0x25: {  	v14 =	vnsel vm1, $0x0, v15;
	v15 =	vadd.s32 v7, v17;
	v18 =	vperm.xlane v12, v9  }
0x26: {  	v19 =	vadd.s32 v8, v17;
	v14 =	vmin.u32 v14, $0x1FF;
	vm1 =	vgt.s32 v15, $0x0  }
0x27: {  	v15 =	vnsel vm1, $0x0, v15;
	vm1 =	vgt.s32 v19, $0x0;
	v18 =	vadd.s32 v10, v18  }
0x28: {  	v16 =	vld.idx.msk [tilespmem:v0+s3+$0x0], $0xffff;
	[tilespmem:$0x80] =	vst v13;
	v13 =	vor.u32 v1, v14;
	v14 =	vmin.u32 v15, $0x1FF;
	v15 =	vnsel vm1, $0x0, v19  }
0x29: {  	v12 =	vperm.xlane v12, v11;
	[tilespmem:$0x90] =	vst v13;
	v13 =	vor.u32 v1, v14;
	v14 =	vmin.u32 v15, $0x1FF  }
0x2a: {  	[tilespmem:$0xA0] =	vst v13;
	v13 =	vor.u32 v1, v14  }
0x2b: {  	v12 =	vadd.s32 v10, v12;
	[tilespmem:$0xB0] =	vst v13  }
0x2c: {  	[tilespmem:s11], [sflag:$0x1] =	stream.indirect_vreg.gather [hbm4b:s1+s3], $0x80, v18, vm0, $0xb8;
	[tilespmem:$0x1E200] =	vst v63  }
0x2d: {  	s0 =	simm.s32 $0xA00  }
0x2e: {  	[tilespmem:s0], [sflag:$0x1] =	stream.indirect_vreg.gather [hbm4b:s5+s3], $0x80, v18, vm0, $0xb8;
	[tilespmem:$0x1E200] =	vst v63  }
0x2f: {  	s2 =	simm.s32 $0x1200  }
0x30: {  	[tilespmem:s2], [sflag:$0x1] =	stream.indirect_vreg.gather [hbm4b:s1+s3], $0x80, v12, vm0, $0xb8;
	[tilespmem:$0x1E200] =	vst v63  }
0x31: {  	s2 =	simm.s32 $0x1A00  }
0x32: {  	[tilespmem:s2], [sflag:$0x1] =	stream.indirect_vreg.gather [hbm4b:s5+s3], $0x80, v12, vm0, $0xb8;
	[tilespmem:$0x1E200] =	vst v63  }
0x33: {  	v12 =	vld [tilespmem:$0x90];
	_ =	sdelay $0x4  }
0x34: {  	v13 =	vshll.u32 v12, $0x2  }
0x35: {  	v12 =	vand.u32 $0x7, v12;
	v13 =	vand.u32 $0xFFFFFFE0, v13  }
0x36: {  	v12 =	vor.u32 v12, v13  }
0x37: {  	v13 =	vperm.xlane v12, v9;
	_ =	sdelay $0x1  }
0x38: {  	v13 =	vadd.s32 v10, v13;
	_ =	sdelay $0x1  }
0x39: {  	v12 =	vperm.xlane v12, v11;
	_ =	sdelay $0x1  }
0x3a: {  	s2 =	simm.s32 $0x2200;
	v12 =	vadd.s32 v10, v12  }
0x3b: {  	[tilespmem:s2], [sflag:$0x1] =	stream.indirect_vreg.gather [hbm4b:s1+s3], $0x80, v13, vm0, $0xb8;
	[tilespmem:$0x1E200] =	vst v63  }
0x3c: {  	s2 =	simm.s32 $0x2A00  }
0x3d: {  	[tilespmem:s2], [sflag:$0x1] =	stream.indirect_vreg.gather [hbm4b:s5+s3], $0x80, v13, vm0, $0xb8;
	[tilespmem:$0x1E200] =	vst v63  }
0x3e: {  	s2 =	simm.s32 $0x3200  }
0x3f: {  	[tilespmem:s2], [sflag:$0x1] =	stream.indirect_vreg.gather [hbm4b:s1+s3], $0x80, v12, vm0, $0xb8;
	[tilespmem:$0x1E200] =	vst v63  }
0x40: {  	s2 =	simm.s32 $0x3A00  }
0x41: {  	[tilespmem:s2], [sflag:$0x1] =	stream.indirect_vreg.gather [hbm4b:s5+s3], $0x80, v12, vm0, $0xb8;
	[tilespmem:$0x1E200] =	vst v63  }
0x42: {  	v12 =	vld [tilespmem:$0xA0];
	_ =	sdelay $0x4  }
0x43: {  	v13 =	vshll.u32 v12, $0x2  }
0x44: {  	v12 =	vand.u32 $0x7, v12;
	v13 =	vand.u32 $0xFFFFFFE0, v13  }
0x45: {  	v12 =	vor.u32 v12, v13  }
0x46: {  	v13 =	vperm.xlane v12, v9;
	_ =	sdelay $0x1  }
0x47: {  	v13 =	vadd.s32 v10, v13;
	_ =	sdelay $0x1  }
0x48: {  	v12 =	vperm.xlane v12, v11;
	_ =	sdelay $0x1  }
0x49: {  	s2 =	simm.s32 $0x4200;
	v12 =	vadd.s32 v10, v12  }
0x4a: {  	[tilespmem:s2], [sflag:$0x1] =	stream.indirect_vreg.gather [hbm4b:s1+s3], $0x80, v13, vm0, $0xb8;
	[tilespmem:$0x1E200] =	vst v63  }
0x4b: {  	s2 =	simm.s32 $0x4A00  }
0x4c: {  	[tilespmem:s2], [sflag:$0x1] =	stream.indirect_vreg.gather [hbm4b:s5+s3], $0x80, v13, vm0, $0xb8;
	[tilespmem:$0x1E200] =	vst v63  }
0x4d: {  	s2 =	simm.s32 $0x5200  }
0x4e: {  	[tilespmem:s2], [sflag:$0x1] =	stream.indirect_vreg.gather [hbm4b:s1+s3], $0x80, v12, vm0, $0xb8;
	[tilespmem:$0x1E200] =	vst v63  }
0x4f: {  	s2 =	simm.s32 $0x5A00  }
0x50: {  	[tilespmem:s2], [sflag:$0x1] =	stream.indirect_vreg.gather [hbm4b:s5+s3], $0x80, v12, vm0, $0xb8;
	[tilespmem:$0x1E200] =	vst v63  }
0x51: {  	v12 =	vld [tilespmem:$0xB0];
	_ =	sdelay $0x4  }
0x52: {  	v13 =	vshll.u32 v12, $0x2  }
0x53: {  	v12 =	vand.u32 $0x7, v12;
	v13 =	vand.u32 $0xFFFFFFE0, v13  }
0x54: {  	v12 =	vor.u32 v12, v13  }
0x55: {  	v13 =	vperm.xlane v12, v9;
	_ =	sdelay $0x1  }
0x56: {  	v13 =	vadd.s32 v10, v13;
	_ =	sdelay $0x1  }
0x57: {  	v12 =	vperm.xlane v12, v11;
	_ =	sdelay $0x1  }
0x58: {  	s2 =	simm.s32 $0x6200;
	v12 =	vadd.s32 v10, v12  }
0x59: {  	[tilespmem:s2], [sflag:$0x1] =	stream.indirect_vreg.gather [hbm4b:s1+s3], $0x80, v13, vm0, $0xb8;
	[tilespmem:$0x1E200] =	vst v63  }
0x5a: {  	s2 =	simm.s32 $0x6A00  }
0x5b: {  	[tilespmem:s2], [sflag:$0x1] =	stream.indirect_vreg.gather [hbm4b:s5+s3], $0x80, v13, vm0, $0xb8;
	[tilespmem:$0x1E200] =	vst v63  }
0x5c: {  	s2 =	simm.s32 $0x7200  }
0x5d: {  	[tilespmem:s2], [sflag:$0x1] =	stream.indirect_vreg.gather [hbm4b:s1+s3], $0x80, v12, vm0, $0xb8;
	[tilespmem:$0x1E200] =	vst v63  }
0x5e: {  	s2 =	simm.s32 $0x7A00  }
0x5f: {  	[tilespmem:s2], [sflag:$0x1] =	stream.indirect_vreg.gather [hbm4b:s5+s3], $0x80, v12, vm0, $0xb8;
	[tilespmem:$0x1E200] =	vst v63  }
0x60: {  	v15 =	vld.idx.msk [tilespmem:v4+s3+$0x0], $0xffff;
	_ =	sdelay $0x4  }
0x61: {  	v12 =	vadd.s32 v5, v15  }
0x62: {  	vm1 =	vgt.s32 v12, $0x0  }
0x63: {  	v12 =	vnsel vm1, $0x0, v12  }
0x64: {  	v12 =	vmin.u32 v12, $0x1FF  }
0x65: {  	v13 =	vor.u32 v2, v12  }
0x66: {  	v14 =	vshll.u32 v13, $0x2  }
0x67: {  	v18 =	vadd.s32 v6, v15;
	v12 =	vand.u32 $0x7, v12;
	v14 =	vand.u32 $0xFFFFFFE0, v14  }
0x68: {  	vm1 =	vgt.s32 v18, $0x0;
	v12 =	vor.u32 v12, v14  }
0x69: {  	v14 =	vnsel vm1, $0x0, v18;
	v18 =	vadd.s32 v7, v15;
	v19 =	vperm.xlane v12, v9  }
0x6a: {  	v21 =	vadd.s32 v8, v15;
	v20 =	vmin.u32 v14, $0x1FF;
	vm1 =	vgt.s32 v18, $0x0  }
0x6b: {  	v18 =	vnsel vm1, $0x0, v18;
	vm1 =	vgt.s32 v21, $0x0;
	v19 =	vadd.s32 v10, v19  }
0x6c: {  	v14 =	vld.idx.msk [tilespmem:v0+s3+$0x0], $0xffff;
	[tilespmem:$0x100] =	vst v13;
	v13 =	vor.u32 v2, v20;
	v18 =	vmin.u32 v18, $0x1FF;
	v20 =	vnsel vm1, $0x0, v21  }
0x6d: {  	v12 =	vperm.xlane v12, v11;
	[tilespmem:$0x110] =	vst v13;
	v13 =	vor.u32 v2, v18;
	v18 =	vmin.u32 v20, $0x1FF  }
0x6e: {  	[tilespmem:$0x120] =	vst v13;
	v13 =	vor.u32 v2, v18  }
0x6f: {  	v12 =	vadd.s32 v10, v12;
	[tilespmem:$0x130] =	vst v13  }
0x70: {  	[tilespmem:s28], [sflag:$0x2] =	stream.indirect_vreg.gather [hbm4b:s1+s3], $0x80, v19, vm0, $0xb8;
	[tilespmem:$0x1E200] =	vst v63  }
0x71: {  	s2 =	simm.s32 $0x8A00  }
0x72: {  	[tilespmem:s2], [sflag:$0x2] =	stream.indirect_vreg.gather [hbm4b:s5+s3], $0x80, v19, vm0, $0xb8;
	[tilespmem:$0x1E200] =	vst v63  }
0x73: {  	s2 =	simm.s32 $0x9200  }
0x74: {  	[tilespmem:s2], [sflag:$0x2] =	stream.indirect_vreg.gather [hbm4b:s1+s3], $0x80, v12, vm0, $0xb8;
	[tilespmem:$0x1E200] =	vst v63  }
0x75: {  	s2 =	simm.s32 $0x9A00  }
0x76: {  	[tilespmem:s2], [sflag:$0x2] =	stream.indirect_vreg.gather [hbm4b:s5+s3], $0x80, v12, vm0, $0xb8;
	[tilespmem:$0x1E200] =	vst v63  }
0x77: {  	v12 =	vld [tilespmem:$0x110];
	_ =	sdelay $0x4  }
0x78: {  	v13 =	vshll.u32 v12, $0x2  }
0x79: {  	v12 =	vand.u32 $0x7, v12;
	v13 =	vand.u32 $0xFFFFFFE0, v13  }
0x7a: {  	v12 =	vor.u32 v12, v13  }
0x7b: {  	v13 =	vperm.xlane v12, v9;
	_ =	sdelay $0x1  }
0x7c: {  	v13 =	vadd.s32 v10, v13;
	_ =	sdelay $0x1  }
0x7d: {  	v12 =	vperm.xlane v12, v11;
	_ =	sdelay $0x1  }
0x7e: {  	s2 =	simm.s32 $0xA200;
	v12 =	vadd.s32 v10, v12  }
0x7f: {  	[tilespmem:s2], [sflag:$0x2] =	stream.indirect_vreg.gather [hbm4b:s1+s3], $0x80, v13, vm0, $0xb8;
	[tilespmem:$0x1E200] =	vst v63  }
0x80: {  	s2 =	simm.s32 $0xAA00  }
0x81: {  	[tilespmem:s2], [sflag:$0x2] =	stream.indirect_vreg.gather [hbm4b:s5+s3], $0x80, v13, vm0, $0xb8;
	[tilespmem:$0x1E200] =	vst v63  }
0x82: {  	s2 =	simm.s32 $0xB200  }
0x83: {  	[tilespmem:s2], [sflag:$0x2] =	stream.indirect_vreg.gather [hbm4b:s1+s3], $0x80, v12, vm0, $0xb8;
	[tilespmem:$0x1E200] =	vst v63  }
0x84: {  	s2 =	simm.s32 $0xBA00  }
0x85: {  	[tilespmem:s2], [sflag:$0x2] =	stream.indirect_vreg.gather [hbm4b:s5+s3], $0x80, v12, vm0, $0xb8;
	[tilespmem:$0x1E200] =	vst v63  }
0x86: {  	v12 =	vld [tilespmem:$0x120];
	_ =	sdelay $0x4  }
0x87: {  	v13 =	vshll.u32 v12, $0x2  }
0x88: {  	v12 =	vand.u32 $0x7, v12;
	v13 =	vand.u32 $0xFFFFFFE0, v13  }
0x89: {  	v12 =	vor.u32 v12, v13  }
0x8a: {  	v13 =	vperm.xlane v12, v9;
	_ =	sdelay $0x1  }
0x8b: {  	v13 =	vadd.s32 v10, v13;
	_ =	sdelay $0x1  }
0x8c: {  	v12 =	vperm.xlane v12, v11;
	_ =	sdelay $0x1  }
0x8d: {  	s2 =	simm.s32 $0xC200;
	v12 =	vadd.s32 v10, v12  }
0x8e: {  	[tilespmem:s2], [sflag:$0x2] =	stream.indirect_vreg.gather [hbm4b:s1+s3], $0x80, v13, vm0, $0xb8;
	[tilespmem:$0x1E200] =	vst v63  }
0x8f: {  	s2 =	simm.s32 $0xCA00  }
0x90: {  	[tilespmem:s2], [sflag:$0x2] =	stream.indirect_vreg.gather [hbm4b:s5+s3], $0x80, v13, vm0, $0xb8;
	[tilespmem:$0x1E200] =	vst v63  }
0x91: {  	s2 =	simm.s32 $0xD200  }
0x92: {  	[tilespmem:s2], [sflag:$0x2] =	stream.indirect_vreg.gather [hbm4b:s1+s3], $0x80, v12, vm0, $0xb8;
	[tilespmem:$0x1E200] =	vst v63  }
0x93: {  	s2 =	simm.s32 $0xDA00  }
0x94: {  	[tilespmem:s2], [sflag:$0x2] =	stream.indirect_vreg.gather [hbm4b:s5+s3], $0x80, v12, vm0, $0xb8;
	[tilespmem:$0x1E200] =	vst v63  }
0x95: {  	v12 =	vld [tilespmem:$0x130];
	_ =	sdelay $0x4  }
0x96: {  	v13 =	vshll.u32 v12, $0x2  }
0x97: {  	v12 =	vand.u32 $0x7, v12;
	v13 =	vand.u32 $0xFFFFFFE0, v13  }
0x98: {  	v12 =	vor.u32 v12, v13  }
0x99: {  	v13 =	vperm.xlane v12, v9;
	_ =	sdelay $0x1  }
0x9a: {  	v13 =	vadd.s32 v10, v13;
	_ =	sdelay $0x1  }
0x9b: {  	v12 =	vperm.xlane v12, v11;
	_ =	sdelay $0x1  }
0x9c: {  	s2 =	simm.s32 $0xE200;
	v12 =	vadd.s32 v10, v12  }
0x9d: {  	[tilespmem:s2], [sflag:$0x2] =	stream.indirect_vreg.gather [hbm4b:s1+s3], $0x80, v13, vm0, $0xb8;
	[tilespmem:$0x1E200] =	vst v63  }
0x9e: {  	s2 =	simm.s32 $0xEA00  }
0x9f: {  	[tilespmem:s2], [sflag:$0x2] =	stream.indirect_vreg.gather [hbm4b:s5+s3], $0x80, v13, vm0, $0xb8;
	[tilespmem:$0x1E200] =	vst v63  }
0xa0: {  	s2 =	simm.s32 $0xF200  }
0xa1: {  	[tilespmem:s2], [sflag:$0x2] =	stream.indirect_vreg.gather [hbm4b:s1+s3], $0x80, v12, vm0, $0xb8;
	[tilespmem:$0x1E200] =	vst v63  }
0xa2: {  	s2 =	simm.s32 $0xFA00  }
0xa3: {  	[tilespmem:s2], [sflag:$0x2] =	stream.indirect_vreg.gather [hbm4b:s5+s3], $0x80, v12, vm0, $0xb8;
	[tilespmem:$0x1E200] =	vst v63  }
0xa4: {  	v13 =	vld.idx.msk [tilespmem:v4+s3+$0x0], $0xffff;
	_ =	sdelay $0x4  }
0xa5: {  	v12 =	vadd.s32 v5, v13  }
0xa6: {  	vm1 =	vgt.s32 v12, $0x0  }
0xa7: {  	v12 =	vnsel vm1, $0x0, v12  }
0xa8: {  	v12 =	vmin.u32 v12, $0x1FF  }
0xa9: {  	v18 =	vor.u32 v3, v12  }
0xaa: {  	v19 =	vshll.u32 v18, $0x2  }
0xab: {  	v20 =	vadd.s32 v6, v13;
	v12 =	vand.u32 $0x7, v12;
	v19 =	vand.u32 $0xFFFFFFE0, v19  }
0xac: {  	vm1 =	vgt.s32 v20, $0x0;
	v19 =	vor.u32 v12, v19  }
0xad: {  	v12 =	vnsel vm1, $0x0, v20;
	v20 =	vadd.s32 v7, v13;
	v21 =	vperm.xlane v19, v9  }
0xae: {  	v23 =	vadd.s32 v8, v13;
	v22 =	vmin.u32 v12, $0x1FF;
	vm1 =	vgt.s32 v20, $0x0  }
0xaf: {  	v20 =	vnsel vm1, $0x0, v20;
	vm1 =	vgt.s32 v23, $0x0;
	v21 =	vadd.s32 v10, v21  }
0xb0: {  	v12 =	vld.idx.msk [tilespmem:v0+s3+$0x0], $0xffff;
	[tilespmem:$0x180] =	vst v18;
	v18 =	vor.u32 v3, v22;
	v20 =	vmin.u32 v20, $0x1FF;
	v22 =	vnsel vm1, $0x0, v23  }
0xb1: {  	v19 =	vperm.xlane v19, v11;
	[tilespmem:$0x190] =	vst v18;
	v18 =	vor.u32 v3, v20;
	v20 =	vmin.u32 v22, $0x1FF  }
0xb2: {  	[tilespmem:$0x1A0] =	vst v18;
	v18 =	vor.u32 v3, v20  }
0xb3: {  	[tilespmem:$0x1B0] =	vst v18;
	v18 =	vadd.s32 v10, v19  }
0xb4: {  	[tilespmem:s22], [sflag:$0x3] =	stream.indirect_vreg.gather [hbm4b:s1+s3], $0x80, v21, vm0, $0xb8;
	[tilespmem:$0x1E200] =	vst v63  }
0xb5: {  	s2 =	simm.s32 $0x10A00  }
0xb6: {  	[tilespmem:s2], [sflag:$0x3] =	stream.indirect_vreg.gather [hbm4b:s5+s3], $0x80, v21, vm0, $0xb8;
	[tilespmem:$0x1E200] =	vst v63  }
0xb7: {  	s2 =	simm.s32 $0x11200  }
0xb8: {  	[tilespmem:s2], [sflag:$0x3] =	stream.indirect_vreg.gather [hbm4b:s1+s3], $0x80, v18, vm0, $0xb8;
	[tilespmem:$0x1E200] =	vst v63  }
0xb9: {  	s2 =	simm.s32 $0x11A00  }
0xba: {  	[tilespmem:s2], [sflag:$0x3] =	stream.indirect_vreg.gather [hbm4b:s5+s3], $0x80, v18, vm0, $0xb8;
	[tilespmem:$0x1E200] =	vst v63  }
0xbb: {  	v18 =	vld [tilespmem:$0x190];
	_ =	sdelay $0x4  }
0xbc: {  	v19 =	vshll.u32 v18, $0x2  }
0xbd: {  	v18 =	vand.u32 $0x7, v18;
	v19 =	vand.u32 $0xFFFFFFE0, v19  }
0xbe: {  	v18 =	vor.u32 v18, v19  }
0xbf: {  	v19 =	vperm.xlane v18, v9;
	_ =	sdelay $0x1  }
0xc0: {  	v19 =	vadd.s32 v10, v19;
	_ =	sdelay $0x1  }
0xc1: {  	v18 =	vperm.xlane v18, v11;
	_ =	sdelay $0x1  }
0xc2: {  	s2 =	simm.s32 $0x12200;
	v18 =	vadd.s32 v10, v18  }
0xc3: {  	[tilespmem:s2], [sflag:$0x3] =	stream.indirect_vreg.gather [hbm4b:s1+s3], $0x80, v19, vm0, $0xb8;
	[tilespmem:$0x1E200] =	vst v63  }
0xc4: {  	s2 =	simm.s32 $0x12A00  }
0xc5: {  	[tilespmem:s2], [sflag:$0x3] =	stream.indirect_vreg.gather [hbm4b:s5+s3], $0x80, v19, vm0, $0xb8;
	[tilespmem:$0x1E200] =	vst v63  }
0xc6: {  	s2 =	simm.s32 $0x13200  }
0xc7: {  	[tilespmem:s2], [sflag:$0x3] =	stream.indirect_vreg.gather [hbm4b:s1+s3], $0x80, v18, vm0, $0xb8;
	[tilespmem:$0x1E200] =	vst v63  }
0xc8: {  	s2 =	simm.s32 $0x13A00  }
0xc9: {  	[tilespmem:s2], [sflag:$0x3] =	stream.indirect_vreg.gather [hbm4b:s5+s3], $0x80, v18, vm0, $0xb8;
	[tilespmem:$0x1E200] =	vst v63  }
0xca: {  	v18 =	vld [tilespmem:$0x1A0];
	_ =	sdelay $0x4  }
0xcb: {  	v19 =	vshll.u32 v18, $0x2  }
0xcc: {  	v18 =	vand.u32 $0x7, v18;
	v19 =	vand.u32 $0xFFFFFFE0, v19  }
0xcd: {  	v18 =	vor.u32 v18, v19  }
0xce: {  	v19 =	vperm.xlane v18, v9;
	_ =	sdelay $0x1  }
0xcf: {  	v19 =	vadd.s32 v10, v19;
	_ =	sdelay $0x1  }
0xd0: {  	v18 =	vperm.xlane v18, v11;
	_ =	sdelay $0x1  }
0xd1: {  	s2 =	simm.s32 $0x14200;
	v18 =	vadd.s32 v10, v18  }
0xd2: {  	[tilespmem:s2], [sflag:$0x3] =	stream.indirect_vreg.gather [hbm4b:s1+s3], $0x80, v19, vm0, $0xb8;
	[tilespmem:$0x1E200] =	vst v63  }
0xd3: {  	s2 =	simm.s32 $0x14A00  }
0xd4: {  	[tilespmem:s2], [sflag:$0x3] =	stream.indirect_vreg.gather [hbm4b:s5+s3], $0x80, v19, vm0, $0xb8;
	[tilespmem:$0x1E200] =	vst v63  }
0xd5: {  	_ = 	snop  }
0xd6: {  	[tilespmem:s12], [sflag:$0x3] =	stream.indirect_vreg.gather [hbm4b:s1+s3], $0x80, v18, vm0, $0xb8;
	[tilespmem:$0x1E200] =	vst v63  }
0xd7: {  	_ = 	snop  }
0xd8: {  	[tilespmem:s13], [sflag:$0x3] =	stream.indirect_vreg.gather [hbm4b:s5+s3], $0x80, v18, vm0, $0xb8;
	[tilespmem:$0x1E200] =	vst v63  }
0xd9: {  	v18 =	vld [tilespmem:$0x1B0];
	_ =	sdelay $0x4  }
0xda: {  	v19 =	vshll.u32 v18, $0x2  }
0xdb: {  	v18 =	vand.u32 $0x7, v18;
	v19 =	vand.u32 $0xFFFFFFE0, v19  }
0xdc: {  	v18 =	vor.u32 v18, v19  }
0xdd: {  	v19 =	vperm.xlane v18, v9;
	_ =	sdelay $0x1  }
0xde: {  	v19 =	vadd.s32 v10, v19;
	_ =	sdelay $0x1  }
0xdf: {  	v20 =	vperm.xlane v18, v11;
	v18 =	vadd.s32 v5, v16  }
0xe0: {  	vm1 =	vgt.s32 v18, $0x0  }
0xe1: {  	v21 =	vadd.s32 v10, v20;
	v20 =	vnsel vm1, $0x0, v18  }
0xe2: {  	v20 =	vmin.u32 v20, $0x1FF;
	[tilespmem:s14], [sflag:$0x3] =	stream.indirect_vreg.gather [hbm4b:s1+s3], $0x80, v19, vm0, $0xb8;
	[tilespmem:$0x1E200] =	vst v63  }
0xe3: {  	v23 =	vmov s3;
	v22 =	vshll.u32 v20, $0x3  }
0xe4: {  	[tilespmem:s15], [sflag:$0x3] =	stream.indirect_vreg.gather [hbm4b:s5+s3], $0x80, v19, vm0, $0xb8;
	v19 =	vand.u32 $0x7F, v20;
	v20 =	vand.u32 $0xC00, v22;
	v22 =	vshll.u32 v23, $0x9;
	[tilespmem:$0x1E200] =	vst v63  }
0xe5: {  	v20 =	vor.u32 v20, v19;
	v26 =	vand.u32 $0x7000, v22;
	v22 =	vshll.u32 v23, $0x7  }
0xe6: {  	v19 =	vadd.s32 v6, v16;
	[tilespmem:s16], [sflag:$0x3] =	stream.indirect_vreg.gather [hbm4b:s1+s3], $0x80, v21, vm0, $0xb8;
	v27 =	vand.u32 $0x380, v22;
	v22 =	vor.u32 v20, v26;
	[tilespmem:$0x1E200] =	vst v63  }
0xe7: {  	vm1 =	vgt.s32 v19, $0x0;
	v23 =	vor.u32 v27, v22  }
0xe8: {  	[tilespmem:s17], [sflag:$0x3] =	stream.indirect_vreg.gather [hbm4b:s5+s3], $0x80, v21, vm0, $0xb8;
	v21 =	vnsel vm1, $0x0, v19;
	[tilespmem:$0x1E200] =	vst v63  }
0xe9: {  	_ =	swait.ge [sflag:s18], $0x8000;
	v21 =	vmin.u32 v21, $0x1FF  }
0xea: {  	[sflag:s18] =	ssyncset.done $0x0;
	v22 =	vshll.u32 v21, $0x3  }
0xeb: {  	v21 =	vand.u32 $0x7F, v21;
	[sflag:s18] =	ssyncadd.s32 $0xFFFF8000;
	v22 =	vand.u32 $0xC00, v22  }
0xec: {  	v22 =	vor.u32 v22, v21;
	v21 =	vld.idx.msk [tilespmem:v23+s11+$0x0], $0xffff  }
0xed: {  	v23 =	vadd.s32 $0xFFFFFFDF, v17;
	v24 =	vor.u32 v22, v26  }
0xee: {  	v17 =	vadd.s32 v7, v16;
	v25 =	vadd.s32 s3, v23;
	v28 =	vor.u32 v27, v24  }
0xef: {  	vm1 =	vgt.s32 v17, $0x0;
	v29 =	vor.u32 v18, v25  }
0xf0: {  	v24 =	vnsel vm1, $0x0, v17;
	vm1 =	vlt.u32 v29, $0x200  }
0xf1: {  	s31 =	simm.s32 $0x18220;
	v24 =	vmin.u32 v24, $0x1FF;
	v21 =	vnsel vm1, $0x0, v21  }
0xf2: {  	v29 =	vshll.u32 v24, $0x3;
	[tilespmem:s31+$0xFFFFFFE0] =	vst v21  }
0xf3: {  	v24 =	vand.u32 $0x7F, v24;
	v29 =	vand.u32 $0xC00, v29;
	v28 =	vld.idx.msk [tilespmem:v28+s11+$0x0], $0xffff  }
0xf4: {  	v24 =	vor.u32 v29, v24  }
0xf5: {  	v21 =	vor.u32 v24, v26  }
0xf6: {  	v29 =	vor.u32 v27, v21;
	v21 =	vor.u32 v19, v25  }
0xf7: {  	vm1 =	vlt.u32 v21, $0x200;
	v21 =	vadd.s32 v8, v16  }
0xf8: {  	v16 =	vnsel vm1, $0x0, v28;
	vm1 =	vgt.s32 v21, $0x0  }
0xf9: {  	[tilespmem:s31+$0xFFFFFFF0] =	vst v16;
	v16 =	vnsel vm1, $0x0, v21  }
0xfa: {  	v16 =	vmin.u32 v16, $0x1FF  }
0xfb: {  	v28 =	vld.idx.msk [tilespmem:v29+s11+$0x0], $0xffff;
	v29 =	vshll.u32 v16, $0x3  }
0xfc: {  	v16 =	vand.u32 $0x7F, v16;
	v29 =	vand.u32 $0xC00, v29  }
0xfd: {  	v16 =	vor.u32 v29, v16  }
0xfe: {  	v26 =	vor.u32 v16, v26  }
0xff: {  	v26 =	vor.u32 v27, v26  }
0x100: {  	v30 =	vor.u32 v17, v25  }
0x101: {  	vm1 =	vlt.u32 v30, $0x200  }
0x102: {  	s0 =	simm.s32 $0x1;
	v28 =	vnsel vm1, $0x0, v28  }
0x103: {  	s2 =	simm.s32 $0x2;
	v27 =	vmov s0;
	[tilespmem:s31+$0x0] =	vst v28  }
.LBB2_2:
0x104: {  	p0 =	sne.s32 s2, $0x3F;
	v28 =	vshll.u32 v27, $0x9;
	v26 =	vld.idx.msk [tilespmem:v26+s11+$0x0], $0xffff  }
0x105: {  	v27 =	vshll.u32 v27, $0x7;
	v28 =	vand.u32 $0x7000, v28  }
0x106: {  	v27 =	vand.u32 $0x380, v27;
	v29 =	vor.u32 v20, v28  }
0x107: {  	v29 =	vor.u32 v27, v29  }
0x108: {  	v25 =	vor.u32 v21, v25  }
0x109: {  	vm1 =	vlt.u32 v25, $0x200  }
0x10a: {  	v25 =	vnsel vm1, $0x0, v26  }
0x10b: {  	[tilespmem:s31+$0x10] =	vst v25  }
0x10c: {  	v26 =	vld.idx.msk [tilespmem:v29+s11+$0x0], $0xffff;
	_ =	sdelay $0x1  }
0x10d: {  	v29 =	vor.u32 v22, v28  }
0x10e: {  	v25 =	vadd.s32 s0, v23;
	s0 =	smov.u32 s2;
	v29 =	vor.u32 v27, v29  }
0x10f: {  	v30 =	vor.u32 v18, v25  }
0x110: {  	vm1 =	vlt.u32 v30, $0x200  }
0x111: {  	s31 =	sadd.s32 $0x80, s31;
	v26 =	vnsel vm1, $0x0, v26  }
0x112: {  	[tilespmem:s31+$0xFFFFFFE0] =	vst v26  }
0x113: {  	v26 =	vld.idx.msk [tilespmem:v29+s11+$0x0], $0xffff;
	_ =	sdelay $0x1  }
0x114: {  	v29 =	vor.u32 v24, v28  }
0x115: {  	v29 =	vor.u32 v27, v29  }
0x116: {  	v30 =	vor.u32 v19, v25  }
0x117: {  	vm1 =	vlt.u32 v30, $0x200  }
0x118: {  	v26 =	vnsel vm1, $0x0, v26  }
0x119: {  	[tilespmem:s31+$0xFFFFFFF0] =	vst v26  }
0x11a: {  	v29 =	vld.idx.msk [tilespmem:v29+s11+$0x0], $0xffff;
	_ =	sdelay $0x1  }
0x11b: {  	v26 =	vor.u32 v16, v28  }
.Ltmp0:
0x11c: {  	v26 =	vor.u32 v27, v26;
	(pc) =	sbr.rel @p0 .LBB2_2-.Ltmp0, $4  }
0x11d: {  	v27 =	vor.u32 v17, v25  }
0x11e: {  	vm1 =	vlt.u32 v27, $0x200  }
0x11f: {  	v28 =	vnsel vm1, $0x0, v29  }
0x120: {  	s2 =	sadd.s32 $0x1, s2;
	v27 =	vmov s0;
	[tilespmem:s31+$0x0] =	vst v28  }
0x121: {  	_ =	sdelay $0x2  }
0x122: {  	v28 =	vshll.u32 v27, $0x9  }
0x123: {  	v26 =	vld.idx.msk [tilespmem:v26+s11+$0x0], $0xffff;
	v27 =	vshll.u32 v27, $0x7;
	v28 =	vand.u32 $0x7000, v28  }
0x124: {  	v27 =	vand.u32 $0x380, v27;
	v20 =	vor.u32 v20, v28  }
0x125: {  	v20 =	vor.u32 v27, v20  }
0x126: {  	v25 =	vor.u32 v21, v25  }
0x127: {  	vm1 =	vlt.u32 v25, $0x200  }
0x128: {  	v25 =	vnsel vm1, $0x0, v26  }
0x129: {  	[tilespmem:s31+$0x10] =	vst v25  }
0x12a: {  	v20 =	vld.idx.msk [tilespmem:v20+s11+$0x0], $0xffff  }
0x12b: {  	v22 =	vor.u32 v22, v28  }
0x12c: {  	v23 =	vadd.s32 s0, v23;
	v22 =	vor.u32 v27, v22  }
0x12d: {  	v18 =	vor.u32 v18, v23  }
0x12e: {  	vm1 =	vlt.u32 v18, $0x200  }
0x12f: {  	s0 =	sadd.s32 $0x80, s31;
	v18 =	vnsel vm1, $0x0, v20  }
0x130: {  	[tilespmem:s0+$0xFFFFFFE0] =	vst v18  }
0x131: {  	v18 =	vld.idx.msk [tilespmem:v22+s11+$0x0], $0xffff  }
0x132: {  	v20 =	vor.u32 v24, v28  }
0x133: {  	v20 =	vor.u32 v27, v20  }
0x134: {  	v19 =	vor.u32 v19, v23  }
0x135: {  	vm1 =	vlt.u32 v19, $0x200  }
0x136: {  	v18 =	vnsel vm1, $0x0, v18  }
0x137: {  	[tilespmem:s0+$0xFFFFFFF0] =	vst v18  }
0x138: {  	v18 =	vld.idx.msk [tilespmem:v20+s11+$0x0], $0xffff  }
0x139: {  	v16 =	vor.u32 v16, v28  }
0x13a: {  	v16 =	vor.u32 v27, v16  }
0x13b: {  	v17 =	vor.u32 v17, v23  }
0x13c: {  	vm1 =	vlt.u32 v17, $0x200  }
0x13d: {  	v17 =	vnsel vm1, $0x0, v18  }
0x13e: {  	[tilespmem:s0+$0x0] =	vst v17  }
0x13f: {  	v17 =	vld.idx.msk [tilespmem:v16+s11+$0x0], $0xffff  }
0x140: {  	v16 =	vadd.s32 v5, v14  }
0x141: {  	vm1 =	vgt.s32 v16, $0x0  }
0x142: {  	v18 =	vor.u32 v21, v23;
	v19 =	vnsel vm1, $0x0, v16  }
0x143: {  	s2 =	simm.s32 $0x0;
	vm1 =	vlt.u32 v18, $0x200;
	v18 =	vmin.u32 v19, $0x1FF  }
0x144: {  	v20 =	vmov s2;
	v19 =	vnsel vm1, $0x0, v17;
	v17 =	vshll.u32 v18, $0x3  }
0x145: {  	v21 =	vshll.u32 v20, $0x9;
	v18 =	vand.u32 $0x7F, v18;
	v17 =	vand.u32 $0xC00, v17  }
0x146: {  	v20 =	vshll.u32 v20, $0x7;
	v24 =	vand.u32 $0x7000, v21;
	v18 =	vor.u32 v17, v18  }
0x147: {  	v25 =	vand.u32 $0x380, v20;
	v17 =	vadd.s32 v6, v14;
	v20 =	vor.u32 v18, v24  }
0x148: {  	[tilespmem:s0+$0x10] =	vst v19;
	vm1 =	vgt.s32 v17, $0x0;
	v19 =	vor.u32 v25, v20  }
0x149: {  	[hbm4b:s6+s2] =	stream.linear.scatter [tilespmem:s19], [sflag:$0x4], $0x2000, $0x38;
	v20 =	vnsel vm1, $0x0, v17;
	[tilespmem:$0x1E200] =	vst v63  }
0x14a: {  	_ =	swait.ge [sflag:s20], $0x8000;
	v20 =	vmin.u32 v20, $0x1FF  }
0x14b: {  	[sflag:s20] =	ssyncset.done $0x0;
	v21 =	vshll.u32 v20, $0x3  }
0x14c: {  	[sflag:s20] =	ssyncadd.s32 $0xFFFF8000;
	v20 =	vand.u32 $0x7F, v20;
	v21 =	vand.u32 $0xC00, v21  }
0x14d: {  	v20 =	vor.u32 v21, v20;
	v19 =	vld.idx.msk [tilespmem:v19+s28+$0x0], $0xffff  }
0x14e: {  	v21 =	vadd.s32 $0xFFFFFFDF, v15;
	v22 =	vor.u32 v20, v24  }
0x14f: {  	v15 =	vadd.s32 v7, v14;
	v23 =	vadd.s32 s2, v21;
	v26 =	vor.u32 v25, v22  }
0x150: {  	vm1 =	vgt.s32 v15, $0x0;
	v27 =	vor.u32 v16, v23  }
0x151: {  	v22 =	vnsel vm1, $0x0, v15;
	vm1 =	vlt.u32 v27, $0x200  }
0x152: {  	s31 =	simm.s32 $0x1A220;
	v22 =	vmin.u32 v22, $0x1FF;
	v19 =	vnsel vm1, $0x0, v19  }
0x153: {  	v27 =	vshll.u32 v22, $0x3;
	[tilespmem:s31+$0xFFFFFFE0] =	vst v19  }
0x154: {  	v22 =	vand.u32 $0x7F, v22;
	v27 =	vand.u32 $0xC00, v27;
	v26 =	vld.idx.msk [tilespmem:v26+s28+$0x0], $0xffff  }
0x155: {  	v22 =	vor.u32 v27, v22  }
0x156: {  	v19 =	vor.u32 v22, v24  }
0x157: {  	v27 =	vor.u32 v25, v19;
	v19 =	vor.u32 v17, v23  }
0x158: {  	vm1 =	vlt.u32 v19, $0x200;
	v19 =	vadd.s32 v8, v14  }
0x159: {  	v14 =	vnsel vm1, $0x0, v26;
	vm1 =	vgt.s32 v19, $0x0  }
0x15a: {  	[tilespmem:s31+$0xFFFFFFF0] =	vst v14;
	v14 =	vnsel vm1, $0x0, v19  }
0x15b: {  	v14 =	vmin.u32 v14, $0x1FF  }
0x15c: {  	v26 =	vld.idx.msk [tilespmem:v27+s28+$0x0], $0xffff;
	v27 =	vshll.u32 v14, $0x3  }
0x15d: {  	v14 =	vand.u32 $0x7F, v14;
	v27 =	vand.u32 $0xC00, v27  }
0x15e: {  	v14 =	vor.u32 v27, v14  }
0x15f: {  	v24 =	vor.u32 v14, v24  }
0x160: {  	v24 =	vor.u32 v25, v24  }
0x161: {  	v63 =	vor.u32 v15, v23  }
0x162: {  	vm1 =	vlt.u32 v63, $0x200  }
0x163: {  	s0 =	simm.s32 $0x1;
	v26 =	vnsel vm1, $0x0, v26  }
0x164: {  	s2 =	simm.s32 $0x2;
	v25 =	vmov s0;
	[tilespmem:s31+$0x0] =	vst v26  }
.LBB2_4:
0x165: {  	p0 =	sne.s32 s2, $0x3F;
	v26 =	vshll.u32 v25, $0x9;
	v24 =	vld.idx.msk [tilespmem:v24+s28+$0x0], $0xffff  }
0x166: {  	v25 =	vshll.u32 v25, $0x7;
	v26 =	vand.u32 $0x7000, v26  }
0x167: {  	v25 =	vand.u32 $0x380, v25;
	v27 =	vor.u32 v18, v26  }
0x168: {  	v27 =	vor.u32 v25, v27  }
0x169: {  	v23 =	vor.u32 v19, v23  }
0x16a: {  	vm1 =	vlt.u32 v23, $0x200  }
0x16b: {  	v23 =	vnsel vm1, $0x0, v24  }
0x16c: {  	[tilespmem:s31+$0x10] =	vst v23  }
0x16d: {  	v24 =	vld.idx.msk [tilespmem:v27+s28+$0x0], $0xffff;
	_ =	sdelay $0x1  }
0x16e: {  	v27 =	vor.u32 v20, v26  }
0x16f: {  	v23 =	vadd.s32 s0, v21;
	s0 =	smov.u32 s2;
	v27 =	vor.u32 v25, v27  }
0x170: {  	v28 =	vor.u32 v16, v23  }
0x171: {  	vm1 =	vlt.u32 v28, $0x200  }
0x172: {  	s31 =	sadd.s32 $0x80, s31;
	v24 =	vnsel vm1, $0x0, v24  }
0x173: {  	[tilespmem:s31+$0xFFFFFFE0] =	vst v24  }
0x174: {  	v24 =	vld.idx.msk [tilespmem:v27+s28+$0x0], $0xffff;
	_ =	sdelay $0x1  }
0x175: {  	v27 =	vor.u32 v22, v26  }
0x176: {  	v27 =	vor.u32 v25, v27  }
0x177: {  	v28 =	vor.u32 v17, v23  }
0x178: {  	vm1 =	vlt.u32 v28, $0x200  }
0x179: {  	v24 =	vnsel vm1, $0x0, v24  }
0x17a: {  	[tilespmem:s31+$0xFFFFFFF0] =	vst v24  }
0x17b: {  	v27 =	vld.idx.msk [tilespmem:v27+s28+$0x0], $0xffff;
	_ =	sdelay $0x1  }
0x17c: {  	v24 =	vor.u32 v14, v26  }
.Ltmp1:
0x17d: {  	v24 =	vor.u32 v25, v24;
	(pc) =	sbr.rel @p0 .LBB2_4-.Ltmp1, $4  }
0x17e: {  	v25 =	vor.u32 v15, v23  }
0x17f: {  	vm1 =	vlt.u32 v25, $0x200  }
0x180: {  	v26 =	vnsel vm1, $0x0, v27  }
0x181: {  	s2 =	sadd.s32 $0x1, s2;
	v25 =	vmov s0;
	[tilespmem:s31+$0x0] =	vst v26  }
0x182: {  	_ =	sdelay $0x2  }
0x183: {  	v26 =	vshll.u32 v25, $0x9  }
0x184: {  	v24 =	vld.idx.msk [tilespmem:v24+s28+$0x0], $0xffff;
	v57 =	vshll.u32 v25, $0x7;
	v26 =	vand.u32 $0x7000, v26  }
0x185: {  	v25 =	vand.u32 $0x380, v57;
	v18 =	vor.u32 v18, v26  }
0x186: {  	v18 =	vor.u32 v25, v18  }
0x187: {  	v23 =	vor.u32 v19, v23  }
0x188: {  	vm1 =	vlt.u32 v23, $0x200  }
0x189: {  	v23 =	vnsel vm1, $0x0, v24  }
0x18a: {  	[tilespmem:s31+$0x10] =	vst v23  }
0x18b: {  	v18 =	vld.idx.msk [tilespmem:v18+s28+$0x0], $0xffff  }
0x18c: {  	v20 =	vor.u32 v20, v26  }
0x18d: {  	v21 =	vadd.s32 s0, v21;
	v20 =	vor.u32 v25, v20  }
0x18e: {  	v16 =	vor.u32 v16, v21  }
0x18f: {  	vm1 =	vlt.u32 v16, $0x200  }
0x190: {  	s0 =	sadd.s32 $0x80, s31;
	v16 =	vnsel vm1, $0x0, v18  }
0x191: {  	[tilespmem:s0+$0xFFFFFFE0] =	vst v16  }
0x192: {  	v16 =	vld.idx.msk [tilespmem:v20+s28+$0x0], $0xffff  }
0x193: {  	v18 =	vor.u32 v22, v26  }
0x194: {  	v18 =	vor.u32 v25, v18  }
0x195: {  	v17 =	vor.u32 v17, v21  }
0x196: {  	vm1 =	vlt.u32 v17, $0x200  }
0x197: {  	v16 =	vnsel vm1, $0x0, v16  }
0x198: {  	[tilespmem:s0+$0xFFFFFFF0] =	vst v16  }
0x199: {  	v16 =	vld.idx.msk [tilespmem:v18+s28+$0x0], $0xffff  }
0x19a: {  	v14 =	vor.u32 v14, v26  }
0x19b: {  	v14 =	vor.u32 v25, v14  }
0x19c: {  	v15 =	vor.u32 v15, v21  }
0x19d: {  	vm1 =	vlt.u32 v15, $0x200  }
0x19e: {  	v15 =	vnsel vm1, $0x0, v16  }
0x19f: {  	[tilespmem:s0+$0x0] =	vst v15  }
0x1a0: {  	v15 =	vld.idx.msk [tilespmem:v14+s28+$0x0], $0xffff  }
0x1a1: {  	v14 =	vadd.s32 v5, v12  }
0x1a2: {  	vm1 =	vgt.s32 v14, $0x0  }
0x1a3: {  	v16 =	vor.u32 v19, v21;
	v17 =	vnsel vm1, $0x0, v14  }
0x1a4: {  	s2 =	simm.s32 $0x0;
	vm1 =	vlt.u32 v16, $0x200;
	v16 =	vmin.u32 v17, $0x1FF  }
0x1a5: {  	v18 =	vmov s2;
	v17 =	vnsel vm1, $0x0, v15;
	v15 =	vshll.u32 v16, $0x3  }
0x1a6: {  	v19 =	vshll.u32 v18, $0x9;
	v16 =	vand.u32 $0x7F, v16;
	v15 =	vand.u32 $0xC00, v15  }
0x1a7: {  	v18 =	vshll.u32 v18, $0x7;
	v22 =	vand.u32 $0x7000, v19;
	v16 =	vor.u32 v15, v16  }
0x1a8: {  	v23 =	vand.u32 $0x380, v18;
	v15 =	vadd.s32 v6, v12;
	v18 =	vor.u32 v16, v22  }
0x1a9: {  	[tilespmem:s0+$0x10] =	vst v17;
	vm1 =	vgt.s32 v15, $0x0;
	v18 =	vor.u32 v23, v18  }
0x1aa: {  	[hbm4b:s7+s2] =	stream.linear.scatter [tilespmem:s21], [sflag:$0x5], $0x2000, $0x38;
	v17 =	vnsel vm1, $0x0, v15;
	[tilespmem:$0x1E200] =	vst v63  }
0x1ab: {  	_ =	swait.ge [sflag:s23], $0x8000;
	v17 =	vmin.u32 v17, $0x1FF  }
0x1ac: {  	[sflag:s23] =	ssyncset.done $0x0;
	v19 =	vshll.u32 v17, $0x3  }
0x1ad: {  	[sflag:s23] =	ssyncadd.s32 $0xFFFF8000;
	v17 =	vand.u32 $0x7F, v17;
	v19 =	vand.u32 $0xC00, v19  }
0x1ae: {  	v17 =	vor.u32 v19, v17;
	v19 =	vld.idx.msk [tilespmem:v18+s22+$0x0], $0xffff  }
0x1af: {  	v18 =	vadd.s32 $0xFFFFFFDF, v13;
	v20 =	vor.u32 v17, v22  }
0x1b0: {  	v13 =	vadd.s32 v7, v12;
	v21 =	vadd.s32 s2, v18;
	v20 =	vor.u32 v23, v20  }
0x1b1: {  	vm1 =	vgt.s32 v13, $0x0;
	v59 =	vor.u32 v14, v21  }
0x1b2: {  	v58 =	vnsel vm1, $0x0, v13;
	vm1 =	vlt.u32 v59, $0x200  }
0x1b3: {  	s31 =	simm.s32 $0x1C220;
	v19 =	vnsel vm1, $0x0, v19  }
0x1b4: {  	[tilespmem:s31+$0xFFFFFFE0] =	vst v19  }
0x1b5: {  	v24 =	vmin.u32 v58, $0x1FF;
	v20 =	vld.idx.msk [tilespmem:v20+s22+$0x0], $0xffff  }
0x1b6: {  	v60 =	vshll.u32 v24, $0x3  }
0x1b7: {  	v24 =	vand.u32 $0x7F, v24;
	v25 =	vand.u32 $0xC00, v60  }
0x1b8: {  	v61 =	vor.u32 v15, v21;
	v19 =	vor.u32 v25, v24  }
0x1b9: {  	v12 =	vadd.s32 v8, v12;
	vm1 =	vlt.u32 v61, $0x200;
	v24 =	vor.u32 v19, v22  }
0x1ba: {  	v24 =	vor.u32 v23, v24;
	v20 =	vnsel vm1, $0x0, v20;
	vm1 =	vgt.s32 v12, $0x0  }
0x1bb: {  	[tilespmem:s31+$0xFFFFFFF0] =	vst v20;
	v20 =	vnsel vm1, $0x0, v12  }
0x1bc: {  	v20 =	vmin.u32 v20, $0x1FF  }
0x1bd: {  	v62 =	vshll.u32 v20, $0x3  }
0x1be: {  	v20 =	vand.u32 $0x7F, v20;
	v25 =	vand.u32 $0xC00, v62  }
0x1bf: {  	v24 =	vld.idx.msk [tilespmem:v24+s22+$0x0], $0xffff;
	v20 =	vor.u32 v25, v20  }
0x1c0: {  	v22 =	vor.u32 v20, v22  }
0x1c1: {  	v22 =	vor.u32 v23, v22  }
0x1c2: {  	v63 =	vor.u32 v13, v21  }
0x1c3: {  	vm1 =	vlt.u32 v63, $0x200  }
0x1c4: {  	s0 =	simm.s32 $0x1;
	v24 =	vnsel vm1, $0x0, v24  }
0x1c5: {  	s2 =	simm.s32 $0x2;
	v23 =	vmov s0;
	[tilespmem:s31+$0x0] =	vst v24  }
.LBB2_6:
0x1c6: {  	p0 =	sne.s32 s2, $0x3F;
	v24 =	vshll.u32 v23, $0x9;
	v22 =	vld.idx.msk [tilespmem:v22+s22+$0x0], $0xffff  }
0x1c7: {  	v23 =	vshll.u32 v23, $0x7;
	v24 =	vand.u32 $0x7000, v24  }
0x1c8: {  	v23 =	vand.u32 $0x380, v23;
	v25 =	vor.u32 v16, v24  }
0x1c9: {  	v25 =	vor.u32 v23, v25  }
0x1ca: {  	v21 =	vor.u32 v12, v21  }
0x1cb: {  	vm1 =	vlt.u32 v21, $0x200  }
0x1cc: {  	v21 =	vnsel vm1, $0x0, v22  }
0x1cd: {  	[tilespmem:s31+$0x10] =	vst v21  }
0x1ce: {  	v22 =	vld.idx.msk [tilespmem:v25+s22+$0x0], $0xffff;
	_ =	sdelay $0x1  }
0x1cf: {  	v25 =	vor.u32 v17, v24  }
0x1d0: {  	v21 =	vadd.s32 s0, v18;
	s0 =	smov.u32 s2;
	v25 =	vor.u32 v23, v25  }
0x1d1: {  	v26 =	vor.u32 v14, v21  }
0x1d2: {  	vm1 =	vlt.u32 v26, $0x200  }
0x1d3: {  	s31 =	sadd.s32 $0x80, s31;
	v22 =	vnsel vm1, $0x0, v22  }
0x1d4: {  	[tilespmem:s31+$0xFFFFFFE0] =	vst v22  }
0x1d5: {  	v22 =	vld.idx.msk [tilespmem:v25+s22+$0x0], $0xffff;
	_ =	sdelay $0x1  }
0x1d6: {  	v25 =	vor.u32 v19, v24  }
0x1d7: {  	v25 =	vor.u32 v23, v25  }
0x1d8: {  	v26 =	vor.u32 v15, v21  }
0x1d9: {  	vm1 =	vlt.u32 v26, $0x200  }
0x1da: {  	v22 =	vnsel vm1, $0x0, v22  }
0x1db: {  	[tilespmem:s31+$0xFFFFFFF0] =	vst v22  }
0x1dc: {  	v25 =	vld.idx.msk [tilespmem:v25+s22+$0x0], $0xffff;
	_ =	sdelay $0x1  }
0x1dd: {  	v22 =	vor.u32 v20, v24  }
.Ltmp2:
0x1de: {  	v22 =	vor.u32 v23, v22;
	(pc) =	sbr.rel @p0 .LBB2_6-.Ltmp2, $4  }
0x1df: {  	v23 =	vor.u32 v13, v21  }
0x1e0: {  	vm1 =	vlt.u32 v23, $0x200  }
0x1e1: {  	v24 =	vnsel vm1, $0x0, v25  }
0x1e2: {  	s2 =	sadd.s32 $0x1, s2;
	v23 =	vmov s0;
	[tilespmem:s31+$0x0] =	vst v24  }
0x1e3: {  	_ =	sdelay $0x2  }
0x1e4: {  	v24 =	vshll.u32 v23, $0x9  }
0x1e5: {  	v22 =	vld.idx.msk [tilespmem:v22+s22+$0x0], $0xffff;
	v60 =	vshll.u32 v23, $0x7;
	v24 =	vand.u32 $0x7000, v24  }
0x1e6: {  	v23 =	vand.u32 $0x380, v60;
	v16 =	vor.u32 v16, v24  }
0x1e7: {  	v16 =	vor.u32 v23, v16  }
0x1e8: {  	v21 =	vor.u32 v12, v21  }
0x1e9: {  	vm1 =	vlt.u32 v21, $0x200  }
0x1ea: {  	v21 =	vnsel vm1, $0x0, v22  }
0x1eb: {  	[tilespmem:s31+$0x10] =	vst v21  }
0x1ec: {  	v16 =	vld.idx.msk [tilespmem:v16+s22+$0x0], $0xffff  }
0x1ed: {  	v17 =	vor.u32 v17, v24  }
0x1ee: {  	v18 =	vadd.s32 s0, v18;
	v17 =	vor.u32 v23, v17  }
0x1ef: {  	v14 =	vor.u32 v14, v18  }
0x1f0: {  	vm1 =	vlt.u32 v14, $0x200  }
0x1f1: {  	s31 =	sadd.s32 $0x80, s31;
	v14 =	vnsel vm1, $0x0, v16  }
0x1f2: {  	[tilespmem:s31+$0xFFFFFFE0] =	vst v14  }
0x1f3: {  	v14 =	vld.idx.msk [tilespmem:v17+s22+$0x0], $0xffff  }
0x1f4: {  	v61 =	vor.u32 v19, v24  }
0x1f5: {  	v16 =	vor.u32 v23, v61  }
0x1f6: {  	v15 =	vor.u32 v15, v18  }
0x1f7: {  	vm1 =	vlt.u32 v15, $0x200  }
0x1f8: {  	v14 =	vnsel vm1, $0x0, v14  }
0x1f9: {  	[tilespmem:s31+$0xFFFFFFF0] =	vst v14  }
0x1fa: {  	v14 =	vld.idx.msk [tilespmem:v16+s22+$0x0], $0xffff  }
0x1fb: {  	v62 =	vor.u32 v20, v24  }
0x1fc: {  	v15 =	vor.u32 v23, v62  }
0x1fd: {  	v13 =	vor.u32 v13, v18  }
0x1fe: {  	vm1 =	vlt.u32 v13, $0x200  }
0x1ff: {  	v13 =	vnsel vm1, $0x0, v14  }
0x200: {  	[tilespmem:s31+$0x0] =	vst v13  }
0x201: {  	v13 =	vld.idx.msk [tilespmem:v15+s22+$0x0], $0xffff;
	_ =	sdelay $0x2  }
0x202: {  	v63 =	vor.u32 v12, v18  }
0x203: {  	vm1 =	vlt.u32 v63, $0x200  }
0x204: {  	v12 =	vnsel vm1, $0x0, v13  }
0x205: {  	[tilespmem:s31+$0x10] =	vst v12  }
0x206: {  	[hbm4b:s8+s3] =	stream.linear.scatter [tilespmem:s24], [sflag:$0x6], $0x2000, $0x38;
	[tilespmem:$0x1E200] =	vst v63  }
0x207: {  	_ =	swait.ge [sflag:s25], $0x2000  }
0x208: {  	[sflag:s25] =	ssyncset.done $0x0  }
0x209: {  	s30 =	sadd.s32 $0x1, s30;
	[sflag:s25] =	ssyncadd.s32 $0xFFFFE000  }
0x20a: {  	p0 =	sne.s32 s30, s9;
	_ =	swait.ge [sflag:s26], $0x2000  }
.Ltmp3:
0x20b: {  	[sflag:s26] =	ssyncset.done $0x0;
	(pc) =	sbr.rel @p0 .LBB2_1-.Ltmp3, $4  }
0x20c: {  	[sflag:s26] =	ssyncadd.s32 $0xFFFFE000  }
0x20d: {  	_ =	swait.ge [sflag:s29], $0x2000  }
0x20e: {  	[sflag:s29] =	ssyncset.done $0x0  }
0x20f: {  	[sflag:s29] =	ssyncadd.s32 $0xFFFFE000  }
0x210: {  	_ =	sfence.sel $0x180000  }
0x211: {  	[bflag:$0x0] =	sbarrier.arrive $0xFFFF  }
0x212: {  	_ =	strace $0x90000047  }
0x213: {  	s0 =	stileid.u32;
	[bflag:$0x2] =	sbarrier.arrive $0xFFFF  }
0x214: {  	p0 =	sne.s32 s0, $0x0;
	s0 =	rddreg [dreg:$0x3]  }
0x215: {  	s0 =	sadd.s32 @!p0 $0x100000, s0  }
0x216: {  	[sflag:s0] =	ssyncadd.tile.s32 @!p0 $0x1;
	_ =	shalt  }
.Lfunc_end2:
_tile_overlayer_lowered:
.L_overlay_start_2:
0x217: {  	(tag) =	ssettag $0x2  }
0x218: {  	s0 =	rddreg [dreg:$0x0];
	s2 =	stileid.u32  }
0x219: {  	s1 =	rddreg [dreg:$0x1];
	p0 =	sne.s32 s2, $0x0  }
0x21a: {  	s3 =	rddreg [dreg:$0x2];
	[bflag:$0x3] =	sbarrier.arrive $0xFFFF;
	s2 =	simm.s32 @!p0 $0x1C07  }
0x21b: {  	[timem:s3], [sflag:s2] =	dma.local @!p0 [hbm:s0], s1  }
0x21c: {  	s0 =	simm.s32 @!p0 $0x7  }
0x21d: {  	_ =	swait.ge @!p0 [sflag:s0], s1  }
0x21e: {  	s1 =	ssub.s32 @!p0 $0x0, s1;
	[sflag:s0] =	ssyncset.done @!p0 $0x0  }
0x21f: {  	[sflag:s0] =	ssyncadd.s32 @!p0 s1  }
0x220: {  	[bflag:$0x3] =	sbarrier.arrive $0xFFFF  }
0x221: {  	_ =	shalt  }

</sc_bundles>
